<compile_context>
chip_gen: v7x
topology: tpu7x:2x2x1
jax: 0.10.2.dev20260603
libtpu: 0.0.44.dev20260713+nightly
codegen_flags: <defaults>
</compile_context>

<pallas_src>
import functools

import jax
import jax.numpy as jnp
from jax import lax
from jax.experimental import pallas as pl
from jax.experimental.pallas import tpu as pltpu
from jax.experimental.pallas import tpu_sc as plsc

_NC = 2
_NS = 16
_K = 128


@functools.lru_cache(maxsize=None)
def _make_agg(N, E, D):
    NW = _NC * _NS
    EPW = E // NW
    assert EPW * NW == E
    KC = 80
    C = EPW // KC
    assert C * KC == EPW
    NB = 3
    ZR = KC
    RC = N // ZR
    assert RC * ZR == N
    mesh = plsc.VectorSubcoreMesh(core_axis_name="c", subcore_axis_name="s")

    @functools.partial(
        pl.kernel,
        out_type=jax.ShapeDtypeStruct((_NC, N, D), jnp.float32),
        mesh=mesh,
        scratch_types=[
            pltpu.VMEM((EPW,), jnp.int32),
            [pltpu.VMEM((KC,), jnp.int32) for _ in range(NB)],
            [pltpu.VMEM((KC, D), jnp.float32) for _ in range(NB)],
            pltpu.VMEM_SHARED((N, D), jnp.float32),
            pltpu.SemaphoreType.DMA,
            [pltpu.SemaphoreType.DMA for _ in range(NB)],
            [pltpu.SemaphoreType.DMA for _ in range(NB)],
        ],
    )
    def agg(x_hbm, ei_hbm, out_hbm, src_st, dstb, bufs, table,
            ssem, gsem, csem):
        cid = lax.axis_index("c")
        sid = lax.axis_index("s")
        wid = sid * _NC + cid
        w0 = wid * EPW

        pltpu.async_copy(ei_hbm.at[pl.ds(w0, EPW)], src_st, ssem)

        z16 = jnp.zeros((16,), jnp.float32)

        def zrow(r, carry):
            for j in range(D // 16):
                bufs[0][r, pl.ds(j * 16, 16)] = z16
            return carry

        lax.fori_loop(0, ZR, zrow, 0)
        n_rc = (RC - sid + _NS - 1) // _NS

        def start_gather(c, b):
            pltpu.async_copy(x_hbm.at[src_st.at[pl.ds(c * KC, KC)]],
                             bufs[b], gsem[b])
            pltpu.async_copy(ei_hbm.at[pl.ds(E + w0 + c * KC, KC)],
                             dstb[b], gsem[b])

        def wait_gather(b):
            pltpu.make_async_copy(x_hbm.at[pl.ds(0, KC)], bufs[b],
                                  gsem[b]).wait()
            pltpu.make_async_copy(ei_hbm.at[pl.ds(0, KC)], dstb[b],
                                  gsem[b]).wait()

        def wait_scatter(b):
            pltpu.make_async_copy(bufs[b], table.at[dstb[b]], csem[b]).wait()

        def zbody(t, carry):
            pltpu.sync_copy(bufs[0].at[pl.ds(0, ZR)],
                            table.at[pl.ds((sid + t * _NS) * ZR, ZR)])
            return carry

        lax.fori_loop(0, n_rc, zbody, 0)

        pltpu.make_async_copy(ei_hbm.at[pl.ds(0, EPW)], src_st, ssem).wait()
        for b in range(NB):
            if b < C:
                start_gather(b, b)
        plsc.subcore_barrier()

        def body(j, carry):
            for b in range(NB):
                c = NB * j + b
                cn = c + NB

                @pl.when(c < C)
                def _():
                    wait_gather(b)
                    pltpu.async_copy(bufs[b], table.at[dstb[b]], csem[b],
                                     add=True)

                @pl.when(cn < C)
                def _():
                    wait_scatter(b)
                    start_gather(cn, b)

            return carry

        lax.fori_loop(0, (C + NB - 1) // NB, body, 0)
        for b in range(NB):
            if b < C:
                wait_scatter(b)
        plsc.subcore_barrier()

        def dbody(t, carry):
            r0 = (sid + t * _NS) * ZR
            pltpu.sync_copy(table.at[pl.ds(r0, ZR)],
                            out_hbm.at[cid, pl.ds(r0, ZR)])
            return carry

        lax.fori_loop(0, n_rc, dbody, 0)

    return agg


def _layer_mlp_body(x_ref, ag_ref, W1_ref, b1_ref, g_ref, bt_ref, W2_ref,
                    b2_ref, o_ref):
    h = x_ref[...] + ag_ref[0] + ag_ref[1]
    h = jnp.dot(h, W1_ref[...], preferred_element_type=jnp.float32) + b1_ref[...]
    h = jnp.maximum(h * g_ref[...] + bt_ref[...], 0.0)
    h = jnp.dot(h, W2_ref[...], preferred_element_type=jnp.float32) + b2_ref[...]
    o_ref[...] = jnp.maximum(h, 0.0)


def _final_mlp_body(x_ref, ag_ref, W1_ref, b1_ref, g_ref, bt_ref, W2_ref,
                    b2_ref, cW1_ref, cb1_ref, cW2_ref, cb2_ref, o_ref):
    h = x_ref[...] + ag_ref[0] + ag_ref[1]
    h = jnp.dot(h, W1_ref[...], preferred_element_type=jnp.float32) + b1_ref[...]
    h = jnp.maximum(h * g_ref[...] + bt_ref[...], 0.0)
    h = jnp.dot(h, W2_ref[...], preferred_element_type=jnp.float32) + b2_ref[...]
    h = jnp.maximum(h, 0.0)
    h = jnp.maximum(
        jnp.dot(h, cW1_ref[...], preferred_element_type=jnp.float32) + cb1_ref[...],
        0.0)
    o_ref[...] = jnp.dot(h, cW2_ref[...], preferred_element_type=jnp.float32) + cb2_ref[...]


def _row_specs(N, D, BN):
    x_spec = pl.BlockSpec((BN, D), lambda i: (i, 0))
    ag_spec = pl.BlockSpec((_NC, BN, D), lambda i: (0, i, 0))
    return x_spec, ag_spec


def _w_spec(a, b):
    return pl.BlockSpec((a, b), lambda i: (0, 0))


def _mlp_layer(x, ag, W1, b1, g, bt, W2, b2):
    N, D = x.shape
    H = W1.shape[1]
    BN = 5000
    x_spec, ag_spec = _row_specs(N, D, BN)
    return pl.pallas_call(
        _layer_mlp_body,
        grid=(N // BN,),
        in_specs=[x_spec, ag_spec, _w_spec(D, H), _w_spec(1, H), _w_spec(1, H),
                  _w_spec(1, H), _w_spec(H, H), _w_spec(1, H)],
        out_specs=pl.BlockSpec((BN, H), lambda i: (i, 0)),
        out_shape=jax.ShapeDtypeStruct((N, H), jnp.float32),
    )(x, ag, W1, b1.reshape(1, H), g.reshape(1, H), bt.reshape(1, H), W2,
      b2.reshape(1, H))


def _mlp_final(x, ag, W1, b1, g, bt, W2, b2, cW1, cb1, cW2, cb2):
    N, D = x.shape
    H = W1.shape[1]
    O = cW2.shape[1]
    BN = 5000
    x_spec, ag_spec = _row_specs(N, D, BN)
    return pl.pallas_call(
        _final_mlp_body,
        grid=(N // BN,),
        in_specs=[x_spec, ag_spec, _w_spec(D, H), _w_spec(1, H), _w_spec(1, H),
                  _w_spec(1, H), _w_spec(H, H), _w_spec(1, H), _w_spec(H, H),
                  _w_spec(1, H), _w_spec(H, O), _w_spec(1, O)],
        out_specs=pl.BlockSpec((BN, O), lambda i: (i, 0)),
        out_shape=jax.ShapeDtypeStruct((N, O), jnp.float32),
    )(x, ag, W1, b1.reshape(1, H), g.reshape(1, H), bt.reshape(1, H), W2,
      b2.reshape(1, H), cW1, cb1.reshape(1, H), cW2, cb2.reshape(1, O))


def kernel(x, edge_index, l0_W1, l0_b1, l0_g, l0_bt, l0_W2, l0_b2,
           l1_W1, l1_b1, l1_g, l1_bt, l1_W2, l1_b2,
           c_W1, c_b1, c_W2, c_b2):
    N, D = x.shape
    E = edge_index.shape[1]
    ei = edge_index.reshape(2 * E)
    agg = _make_agg(N, E, D)
    ag0 = agg(x, ei)
    h = _mlp_layer(x, ag0, l0_W1, l0_b1, l0_g, l0_bt, l0_W2, l0_b2)
    ag1 = agg(h, ei)
    return _mlp_final(h, ag1, l1_W1, l1_b1, l1_g, l1_bt, l1_W2, l1_b2,
                      c_W1, c_b1, c_W2, c_b2)

# --- scband reference (transcript-rebuilt; emitter-appended) ---
"""Pipeline reference for scband-cu-graph-distributed-gin-30520037606038 (READ-ONLY COPY).

The authoritative reference and input builder live on the scoring server;
editing this copy changes nothing except your own understanding.
"""

import jax, jax.numpy as jnp
import numpy as np

N = 10000
E = 320000
D = 128
H = 128
O = 64


def setup_inputs(seed: int = 0) -> dict:
    key = jax.random.key(seed)
    ks = jax.random.split(key, 20)
    inp = {}
    inp['x'] = jax.random.normal(ks[0], (N, D), dtype=jnp.float32)
    inp['edge_index'] = jax.random.randint(ks[1], (2, E), 0, N, dtype=jnp.int32)
    # GIN conv layer 0 MLP: [D, H, H] with batch-norm after first linear (eval mode)
    inp['l0_W1'] = jax.random.normal(ks[2], (D, H), dtype=jnp.float32) / np.sqrt(D)
    inp['l0_b1'] = jnp.zeros((H,), dtype=jnp.float32)
    inp['l0_g'] = jnp.ones((H,), dtype=jnp.float32)
    inp['l0_bt'] = jnp.zeros((H,), dtype=jnp.float32)
    inp['l0_W2'] = jax.random.normal(ks[3], (H, H), dtype=jnp.float32) / np.sqrt(H)
    inp['l0_b2'] = jnp.zeros((H,), dtype=jnp.float32)
    # GIN conv layer 1 MLP: [H, H, H]
    inp['l1_W1'] = jax.random.normal(ks[4], (H, H), dtype=jnp.float32) / np.sqrt(H)
    inp['l1_b1'] = jnp.zeros((H,), dtype=jnp.float32)
    inp['l1_g'] = jnp.ones((H,), dtype=jnp.float32)
    inp['l1_bt'] = jnp.zeros((H,), dtype=jnp.float32)
    inp['l1_W2'] = jax.random.normal(ks[5], (H, H), dtype=jnp.float32) / np.sqrt(H)
    inp['l1_b2'] = jnp.zeros((H,), dtype=jnp.float32)
    # classifier MLP: [H, H, O], norm=None
    inp['c_W1'] = jax.random.normal(ks[6], (H, H), dtype=jnp.float32) / np.sqrt(H)
    inp['c_b1'] = jnp.zeros((H,), dtype=jnp.float32)
    inp['c_W2'] = jax.random.normal(ks[7], (H, O), dtype=jnp.float32) / np.sqrt(H)
    inp['c_b2'] = jnp.zeros((O,), dtype=jnp.float32)
    return inp


def _mlp_bn(h, W1, b1, g, bt, W2, b2):
    # PyG MLP: Linear -> BatchNorm (eval: running stats mean=0, var=1) -> ReLU -> Linear
    h = h @ W1 + b1
    h = h * g + bt
    h = jax.nn.relu(h)
    return h @ W2 + b2


def reference(x, edge_index, l0_W1, l0_b1, l0_g, l0_bt, l0_W2, l0_b2,
              l1_W1, l1_b1, l1_g, l1_bt, l1_W2, l1_b2,
              c_W1, c_b1, c_W2, c_b2):
    src = edge_index[0]
    dst = edge_index[1]
    eps = 0.0
    # Layer 0: GINConv -> relu (dropout p=0 is a no-op)
    aggr = jnp.zeros_like(x).at[dst].add(x[src])
    h = (1.0 + eps) * x + aggr
    h = _mlp_bn(h, l0_W1, l0_b1, l0_g, l0_bt, l0_W2, l0_b2)
    h = jax.nn.relu(h)
    # Layer 1: GINConv -> relu
    aggr = jnp.zeros_like(h).at[dst].add(h[src])
    h2 = (1.0 + eps) * h + aggr
    h2 = _mlp_bn(h2, l1_W1, l1_b1, l1_g, l1_bt, l1_W2, l1_b2)
    h2 = jax.nn.relu(h2)
    # Classifier MLP (norm=None): Linear -> ReLU -> Linear
    out = jax.nn.relu(h2 @ c_W1 + c_b1) @ c_W2 + c_b2
    return out

if __name__ == "__main__":
    import jax
    _d = setup_inputs()
    print(jax.jit(kernel)(*tuple(_d.values())))

</pallas_src>

<mosaic_0001>
#map = affine_map<(d0, d1) -> (0, 0)>
#map1 = affine_map<(d0, d1) -> (0)>
#map2 = affine_map<(d0, d1) -> (0, 0, 0)>
module attributes {stable_mosaic.version = 14 : i64} {
  func.func @agg(%arg0: i32, %arg1: i32, %arg2: memref<10000x128xf32, #tpu.memory_space<hbm>>, %arg3: memref<640000xi32, #tpu.memory_space<hbm>>, %arg4: memref<2x10000x128xf32, #tpu.memory_space<hbm>>, %arg5: memref<10000xi32, #tpu.memory_space<vmem>>, %arg6: memref<80xi32, #tpu.memory_space<vmem>>, %arg7: memref<80xi32, #tpu.memory_space<vmem>>, %arg8: memref<80xi32, #tpu.memory_space<vmem>>, %arg9: memref<80x128xf32, #tpu.memory_space<vmem>>, %arg10: memref<80x128xf32, #tpu.memory_space<vmem>>, %arg11: memref<80x128xf32, #tpu.memory_space<vmem>>, %arg12: memref<10000x128xf32, #tpu.memory_space<vmem_shared>>, %arg13: memref<!tpu.dma_semaphore, #tpu.memory_space<semaphore_mem>>, %arg14: memref<!tpu.dma_semaphore, #tpu.memory_space<semaphore_mem>>, %arg15: memref<!tpu.dma_semaphore, #tpu.memory_space<semaphore_mem>>, %arg16: memref<!tpu.dma_semaphore, #tpu.memory_space<semaphore_mem>>, %arg17: memref<!tpu.dma_semaphore, #tpu.memory_space<semaphore_mem>>, %arg18: memref<!tpu.dma_semaphore, #tpu.memory_space<semaphore_mem>>, %arg19: memref<!tpu.dma_semaphore, #tpu.memory_space<semaphore_mem>>) attributes {dimension_semantics = [#tpu.dimension_semantics<core_parallel>, #tpu.dimension_semantics<subcore_parallel>], iteration_bounds = array<i64: 2, 16>, scalar_prefetch = 0 : i64, scratch_operands = 15 : i64, tpu.core_type = #tpu.core_type<sc_vector_subcore>, window_params = [{transform_indices = #map}, {transform_indices = #map1}, {transform_indices = #map2}]} {
    %mul3A = arith.constant 2 : i32
    %mul3A_0 = arith.muli %arg1, %mul3A : i32
    %add3A = arith.addi %mul3A_0, %arg0 : i32
    %mul3A_1 = arith.constant 10000 : i32
    %mul3A_2 = arith.muli %add3A, %mul3A_1 : i32
    %dma_start3A = tpu.memref_slice %arg3[%mul3A_2] : memref<640000xi32, #tpu.memory_space<hbm>> -> memref<10000xi32, #tpu.memory_space<hbm>>
    %dma_start3A_3 = tpu.memref_slice %arg3[%mul3A_2] : memref<640000xi32, #tpu.memory_space<hbm>> -> memref<10000xi32, #tpu.memory_space<hbm>>
    tpu.enqueue_dma source(%dma_start3A_3 : memref<10000xi32, #tpu.memory_space<hbm>>) target(%arg5 : memref<10000xi32, #tpu.memory_space<vmem>>) target_semaphore(%arg13 : memref<!tpu.dma_semaphore, #tpu.memory_space<semaphore_mem>>)
    %broadcast_in_dim3A = arith.constant 0.000000e+00 : f32
    %broadcast_in_dim3A_4 = vector.broadcast %broadcast_in_dim3A : f32 to vector<16xf32>
    %scan3A = arith.constant 0 : i32
    %scan3A_5 = arith.constant 0 : i32
    %scan3A_6 = arith.constant 80 : i32
    %scan3A_7 = arith.addi %scan3A_5, %scan3A_6 : i32
    %scan3A_8 = arith.constant 1 : i32
    scf.for %scan3A_103 = %scan3A_5 to %scan3A_7 step %scan3A_8  : i32 {
      %swap3A = arith.index_cast %scan3A_103 : i32 to index
      %swap3A_104 = arith.constant 0 : index
      %swap3A_105 = tpu.vector_load %arg9[%swap3A, %swap3A_104] {strides = array<i32>} : memref<80x128xf32, #tpu.memory_space<vmem>>, vector<1x16xf32>,
      %swap3A_106 = vector.shape_cast %swap3A_105 : vector<1x16xf32> to vector<16xf32>
      %swap3A_107 = vector.shape_cast %broadcast_in_dim3A_4 : vector<16xf32> to vector<1x16xf32>
      tpu.vector_store %arg9[%swap3A, %swap3A_104], %swap3A_107 {strides = array<i32>} : memref<80x128xf32, #tpu.memory_space<vmem>>, vector<1x16xf32>,
      %swap3A_108 = arith.index_cast %scan3A_103 : i32 to index
      %swap3A_109 = arith.constant 16 : index
      %swap3A_110 = tpu.vector_load %arg9[%swap3A_108, %swap3A_109] {strides = array<i32>} : memref<80x128xf32, #tpu.memory_space<vmem>>, vector<1x16xf32>,
      %swap3A_111 = vector.shape_cast %swap3A_110 : vector<1x16xf32> to vector<16xf32>
      %swap3A_112 = vector.shape_cast %broadcast_in_dim3A_4 : vector<16xf32> to vector<1x16xf32>
      tpu.vector_store %arg9[%swap3A_108, %swap3A_109], %swap3A_112 {strides = array<i32>} : memref<80x128xf32, #tpu.memory_space<vmem>>, vector<1x16xf32>,
      %swap3A_113 = arith.index_cast %scan3A_103 : i32 to index
      %swap3A_114 = arith.constant 32 : index
      %swap3A_115 = tpu.vector_load %arg9[%swap3A_113, %swap3A_114] {strides = array<i32>} : memref<80x128xf32, #tpu.memory_space<vmem>>, vector<1x16xf32>,
      %swap3A_116 = vector.shape_cast %swap3A_115 : vector<1x16xf32> to vector<16xf32>
      %swap3A_117 = vector.shape_cast %broadcast_in_dim3A_4 : vector<16xf32> to vector<1x16xf32>
      tpu.vector_store %arg9[%swap3A_113, %swap3A_114], %swap3A_117 {strides = array<i32>} : memref<80x128xf32, #tpu.memory_space<vmem>>, vector<1x16xf32>,
      %swap3A_118 = arith.index_cast %scan3A_103 : i32 to index
      %swap3A_119 = arith.constant 48 : index
      %swap3A_120 = tpu.vector_load %arg9[%swap3A_118, %swap3A_119] {strides = array<i32>} : memref<80x128xf32, #tpu.memory_space<vmem>>, vector<1x16xf32>,
      %swap3A_121 = vector.shape_cast %swap3A_120 : vector<1x16xf32> to vector<16xf32>
      %swap3A_122 = vector.shape_cast %broadcast_in_dim3A_4 : vector<16xf32> to vector<1x16xf32>
      tpu.vector_store %arg9[%swap3A_118, %swap3A_119], %swap3A_122 {strides = array<i32>} : memref<80x128xf32, #tpu.memory_space<vmem>>, vector<1x16xf32>,
      %swap3A_123 = arith.index_cast %scan3A_103 : i32 to index
      %swap3A_124 = arith.constant 64 : index
      %swap3A_125 = tpu.vector_load %arg9[%swap3A_123, %swap3A_124] {strides = array<i32>} : memref<80x128xf32, #tpu.memory_space<vmem>>, vector<1x16xf32>,
      %swap3A_126 = vector.shape_cast %swap3A_125 : vector<1x16xf32> to vector<16xf32>
      %swap3A_127 = vector.shape_cast %broadcast_in_dim3A_4 : vector<16xf32> to vector<1x16xf32>
      tpu.vector_store %arg9[%swap3A_123, %swap3A_124], %swap3A_127 {strides = array<i32>} : memref<80x128xf32, #tpu.memory_space<vmem>>, vector<1x16xf32>,
      %swap3A_128 = arith.index_cast %scan3A_103 : i32 to index
      %swap3A_129 = arith.constant 80 : index
      %swap3A_130 = tpu.vector_load %arg9[%swap3A_128, %swap3A_129] {strides = array<i32>} : memref<80x128xf32, #tpu.memory_space<vmem>>, vector<1x16xf32>,
      %swap3A_131 = vector.shape_cast %swap3A_130 : vector<1x16xf32> to vector<16xf32>
      %swap3A_132 = vector.shape_cast %broadcast_in_dim3A_4 : vector<16xf32> to vector<1x16xf32>
      tpu.vector_store %arg9[%swap3A_128, %swap3A_129], %swap3A_132 {strides = array<i32>} : memref<80x128xf32, #tpu.memory_space<vmem>>, vector<1x16xf32>,
      %swap3A_133 = arith.index_cast %scan3A_103 : i32 to index
      %swap3A_134 = arith.constant 96 : index
      %swap3A_135 = tpu.vector_load %arg9[%swap3A_133, %swap3A_134] {strides = array<i32>} : memref<80x128xf32, #tpu.memory_space<vmem>>, vector<1x16xf32>,
      %swap3A_136 = vector.shape_cast %swap3A_135 : vector<1x16xf32> to vector<16xf32>
      %swap3A_137 = vector.shape_cast %broadcast_in_dim3A_4 : vector<16xf32> to vector<1x16xf32>
      tpu.vector_store %arg9[%swap3A_133, %swap3A_134], %swap3A_137 {strides = array<i32>} : memref<80x128xf32, #tpu.memory_space<vmem>>, vector<1x16xf32>,
      %swap3A_138 = arith.index_cast %scan3A_103 : i32 to index
      %swap3A_139 = arith.constant 112 : index
      %swap3A_140 = tpu.vector_load %arg9[%swap3A_138, %swap3A_139] {strides = array<i32>} : memref<80x128xf32, #tpu.memory_space<vmem>>, vector<1x16xf32>,
      %swap3A_141 = vector.shape_cast %swap3A_140 : vector<1x16xf32> to vector<16xf32>
      %swap3A_142 = vector.shape_cast %broadcast_in_dim3A_4 : vector<16xf32> to vector<1x16xf32>
      tpu.vector_store %arg9[%swap3A_138, %swap3A_139], %swap3A_142 {strides = array<i32>} : memref<80x128xf32, #tpu.memory_space<vmem>>, vector<1x16xf32>,
    }
    %scan3A_9 = arith.constant 80 : i32
    %sub3A = arith.constant 125 : i32
    %sub3A_10 = arith.subi %sub3A, %arg1 : i32
    %add3A_11 = arith.constant 16 : i32
    %add3A_12 = arith.addi %sub3A_10, %add3A_11 : i32
    %sub3A_13 = arith.constant 1 : i32
    %sub3A_14 = arith.subi %add3A_12, %sub3A_13 : i32
    %jit3A = arith.constant 16 : i32
    %div3A = arith.divsi %sub3A_14, %jit3A : i32
    %sign3A = arith.constant 0 : i32
    %sign3A_15 = arith.cmpi sgt, %sub3A_14, %sign3A : i32
    %sign3A_16 = arith.extui %sign3A_15 : i1 to i32
    %sign3A_17 = arith.constant 0 : i32
    %sign3A_18 = arith.cmpi slt, %sub3A_14, %sign3A_17 : i32
    %sign3A_19 = arith.extui %sign3A_18 : i1 to i32
    %sign3A_20 = arith.subi %sign3A_16, %sign3A_19 : i32
    %sign3A_21 = arith.constant 0 : i32
    %sign3A_22 = arith.cmpi sgt, %jit3A, %sign3A_21 : i32
    %sign3A_23 = arith.extui %sign3A_22 : i1 to i32
    %sign3A_24 = arith.constant 0 : i32
    %sign3A_25 = arith.cmpi slt, %jit3A, %sign3A_24 : i32
    %sign3A_26 = arith.extui %sign3A_25 : i1 to i32
    %sign3A_27 = arith.subi %sign3A_23, %sign3A_26 : i32
    %ne3A = arith.cmpi ne, %sign3A_20, %sign3A_27 : i32
    %rem3A = arith.remsi %sub3A_14, %jit3A : i32
    %ne3A_28 = arith.constant 0 : i32
    %ne3A_29 = arith.cmpi ne, %rem3A, %ne3A_28 : i32
    %and3A = arith.andi %ne3A, %ne3A_29 : i1
    %sub3A_30 = arith.constant 1 : i32
    %sub3A_31 = arith.subi %div3A, %sub3A_30 : i32
    %select_n3A = arith.select %and3A, %sub3A_31, %div3A : i32
    %while3A = arith.constant 0 : i32
    %while3A_32 = arith.constant 0 : i32
    %while3A_33 = arith.subi %select_n3A, %while3A_32 : i32
    %while3A_34 = arith.addi %while3A_32, %while3A_33 : i32
    %while3A_35 = arith.constant 1 : i32
    %while3A_36 = arith.divsi %while3A_33, %while3A_35 : i32
    %while3A_37 = arith.muli %while3A_36, %while3A_35 : i32
    %while3A_38 = arith.addi %while3A_32, %while3A_37 : i32
    %while3A_39 = arith.constant 1 : i32
    scf.for %while3A_103 = %while3A_32 to %while3A_38 step %while3A_39  : i32 {
      %mul3A_104 = arith.constant 16 : i32
      %mul3A_105 = arith.muli %while3A_103, %mul3A_104 : i32
      %add3A_106 = arith.addi %arg1, %mul3A_105 : i32
      %mul3A_107 = arith.constant 80 : i32
      %mul3A_108 = arith.muli %add3A_106, %mul3A_107 : i32
      "tpu.region"() ({
        %run_scoped3A = tpu.sem_alloc : memref<!tpu.dma_semaphore, #tpu.memory_space<semaphore_mem>>
        %dma_start3A_109 = arith.constant 0 : i32
        %dma_start3A_110 = arith.constant 0 : i32
        %dma_start3A_111 = tpu.memref_slice %arg9[%dma_start3A_109, %dma_start3A_110] : memref<80x128xf32, #tpu.memory_space<vmem>> -> memref<80x128xf32, #tpu.memory_space<vmem>>
        %dma_start3A_112 = arith.constant 0 : i32
        %dma_start3A_113 = tpu.memref_slice %arg12[%mul3A_108, %dma_start3A_112] : memref<10000x128xf32, #tpu.memory_space<vmem_shared>> -> memref<80x128xf32, #tpu.memory_space<vmem_shared>>
        %dma_start3A_114 = arith.constant 0 : i32
        %dma_start3A_115 = tpu.memref_slice %arg12[%mul3A_108, %dma_start3A_114] : memref<10000x128xf32, #tpu.memory_space<vmem_shared>> -> memref<80x128xf32, #tpu.memory_space<vmem_shared>>
        %dma_start3A_116 = arith.constant 0 : i32
        %dma_start3A_117 = arith.constant 0 : i32
        %dma_start3A_118 = tpu.memref_slice %arg9[%dma_start3A_116, %dma_start3A_117] : memref<80x128xf32, #tpu.memory_space<vmem>> -> memref<80x128xf32, #tpu.memory_space<vmem>>
        tpu.enqueue_dma source(%dma_start3A_118 : memref<80x128xf32, #tpu.memory_space<vmem>>) target(%dma_start3A_115 : memref<80x128xf32, #tpu.memory_space<vmem_shared>>) target_semaphore(%run_scoped3A : memref<!tpu.dma_semaphore, #tpu.memory_space<semaphore_mem>>)
        %dma_wait3A_119 = arith.constant 0 : i32
        %dma_wait3A_120 = arith.constant 0 : i32
        %dma_wait3A_121 = tpu.memref_slice %arg9[%dma_wait3A_119, %dma_wait3A_120] : memref<80x128xf32, #tpu.memory_space<vmem>> -> memref<80x128xf32, #tpu.memory_space<vmem>>
        %dma_wait3A_122 = arith.constant 0 : i32
        %dma_wait3A_123 = tpu.memref_slice %arg12[%mul3A_108, %dma_wait3A_122] : memref<10000x128xf32, #tpu.memory_space<vmem_shared>> -> memref<80x128xf32, #tpu.memory_space<vmem_shared>>
        %dma_wait3A_124 = arith.constant 0 : i32
        %dma_wait3A_125 = tpu.memref_slice %arg12[%mul3A_108, %dma_wait3A_124] : memref<10000x128xf32, #tpu.memory_space<vmem_shared>> -> memref<80x128xf32, #tpu.memory_space<vmem_shared>>
        %dma_wait3A_126 = arith.constant 0 : i32
        %dma_wait3A_127 = arith.constant 0 : i32
        %dma_wait3A_128 = tpu.memref_slice %arg9[%dma_wait3A_126, %dma_wait3A_127] : memref<80x128xf32, #tpu.memory_space<vmem>> -> memref<80x128xf32, #tpu.memory_space<vmem>>
        tpu.wait_dma2 semaphore(%run_scoped3A : memref<!tpu.dma_semaphore, #tpu.memory_space<semaphore_mem>>) src(%dma_wait3A_128 : memref<80x128xf32, #tpu.memory_space<vmem>>) dst(%dma_wait3A_125 : memref<80x128xf32, #tpu.memory_space<vmem_shared>>)
        tpu.yield
      }) : () -> ()
    }
    %while3A_40 = arith.constant 1 : i32
    scf.for %while3A_103 = %while3A_38 to %while3A_34 step %while3A_40  : i32 {
      %mul3A_104 = arith.constant 16 : i32
      %mul3A_105 = arith.muli %while3A_103, %mul3A_104 : i32
      %add3A_106 = arith.addi %arg1, %mul3A_105 : i32
      %mul3A_107 = arith.constant 80 : i32
      %mul3A_108 = arith.muli %add3A_106, %mul3A_107 : i32
      "tpu.region"() ({
        %run_scoped3A = tpu.sem_alloc : memref<!tpu.dma_semaphore, #tpu.memory_space<semaphore_mem>>
        %dma_start3A_109 = arith.constant 0 : i32
        %dma_start3A_110 = arith.constant 0 : i32
        %dma_start3A_111 = tpu.memref_slice %arg9[%dma_start3A_109, %dma_start3A_110] : memref<80x128xf32, #tpu.memory_space<vmem>> -> memref<80x128xf32, #tpu.memory_space<vmem>>
        %dma_start3A_112 = arith.constant 0 : i32
        %dma_start3A_113 = tpu.memref_slice %arg12[%mul3A_108, %dma_start3A_112] : memref<10000x128xf32, #tpu.memory_space<vmem_shared>> -> memref<80x128xf32, #tpu.memory_space<vmem_shared>>
        %dma_start3A_114 = arith.constant 0 : i32
        %dma_start3A_115 = tpu.memref_slice %arg12[%mul3A_108, %dma_start3A_114] : memref<10000x128xf32, #tpu.memory_space<vmem_shared>> -> memref<80x128xf32, #tpu.memory_space<vmem_shared>>
        %dma_start3A_116 = arith.constant 0 : i32
        %dma_start3A_117 = arith.constant 0 : i32
        %dma_start3A_118 = tpu.memref_slice %arg9[%dma_start3A_116, %dma_start3A_117] : memref<80x128xf32, #tpu.memory_space<vmem>> -> memref<80x128xf32, #tpu.memory_space<vmem>>
        tpu.enqueue_dma source(%dma_start3A_118 : memref<80x128xf32, #tpu.memory_space<vmem>>) target(%dma_start3A_115 : memref<80x128xf32, #tpu.memory_space<vmem_shared>>) target_semaphore(%run_scoped3A : memref<!tpu.dma_semaphore, #tpu.memory_space<semaphore_mem>>)
        %dma_wait3A_119 = arith.constant 0 : i32
        %dma_wait3A_120 = arith.constant 0 : i32
        %dma_wait3A_121 = tpu.memref_slice %arg9[%dma_wait3A_119, %dma_wait3A_120] : memref<80x128xf32, #tpu.memory_space<vmem>> -> memref<80x128xf32, #tpu.memory_space<vmem>>
        %dma_wait3A_122 = arith.constant 0 : i32
        %dma_wait3A_123 = tpu.memref_slice %arg12[%mul3A_108, %dma_wait3A_122] : memref<10000x128xf32, #tpu.memory_space<vmem_shared>> -> memref<80x128xf32, #tpu.memory_space<vmem_shared>>
        %dma_wait3A_124 = arith.constant 0 : i32
        %dma_wait3A_125 = tpu.memref_slice %arg12[%mul3A_108, %dma_wait3A_124] : memref<10000x128xf32, #tpu.memory_space<vmem_shared>> -> memref<80x128xf32, #tpu.memory_space<vmem_shared>>
        %dma_wait3A_126 = arith.constant 0 : i32
        %dma_wait3A_127 = arith.constant 0 : i32
        %dma_wait3A_128 = tpu.memref_slice %arg9[%dma_wait3A_126, %dma_wait3A_127] : memref<80x128xf32, #tpu.memory_space<vmem>> -> memref<80x128xf32, #tpu.memory_space<vmem>>
        tpu.wait_dma2 semaphore(%run_scoped3A : memref<!tpu.dma_semaphore, #tpu.memory_space<semaphore_mem>>) src(%dma_wait3A_128 : memref<80x128xf32, #tpu.memory_space<vmem>>) dst(%dma_wait3A_125 : memref<80x128xf32, #tpu.memory_space<vmem_shared>>)
        tpu.yield
      }) : () -> ()
    }
    %dma_wait3A = arith.constant 0 : i32
    %dma_wait3A_41 = tpu.memref_slice %arg3[%dma_wait3A] : memref<640000xi32, #tpu.memory_space<hbm>> -> memref<10000xi32, #tpu.memory_space<hbm>>
    %dma_wait3A_42 = arith.constant 0 : i32
    %dma_wait3A_43 = tpu.memref_slice %arg3[%dma_wait3A_42] : memref<640000xi32, #tpu.memory_space<hbm>> -> memref<10000xi32, #tpu.memory_space<hbm>>
    tpu.wait_dma2 semaphore(%arg13 : memref<!tpu.dma_semaphore, #tpu.memory_space<semaphore_mem>>) src(%dma_wait3A_43 : memref<10000xi32, #tpu.memory_space<hbm>>) dst(%arg5 : memref<10000xi32, #tpu.memory_space<vmem>>)
    %dma_start3A_44 = arith.constant 0 : i32
    %dma_start3A_45 = tpu.memref_slice %arg5[%dma_start3A_44] : memref<10000xi32, #tpu.memory_space<vmem>> -> memref<80xi32, #tpu.memory_space<vmem>>
    %dma_start3A_46 = arith.constant 0 : i32
    %dma_start3A_47 = arith.constant 0 : i32
    %dma_start3A_48 = tpu.memref_slice %arg2[%dma_start3A_46, %dma_start3A_47] : memref<10000x128xf32, #tpu.memory_space<hbm>> -> memref<10000x128xf32, #tpu.memory_space<hbm>>
    tpu.enqueue_indirect_dma source(%dma_start3A_48 : memref<10000x128xf32, #tpu.memory_space<hbm>>) target(%arg9 : memref<80x128xf32, #tpu.memory_space<vmem>>) offsets(%dma_start3A_45 : memref<80xi32, #tpu.memory_space<vmem>>) semaphore(%arg14 : memref<!tpu.dma_semaphore, #tpu.memory_space<semaphore_mem>>)
    %add3A_49 = arith.constant 320000 : i32
    %add3A_50 = arith.addi %add3A_49, %mul3A_2 : i32
    %add3A_51 = arith.constant 0 : i32
    %add3A_52 = arith.addi %add3A_50, %add3A_51 : i32
    %dma_start3A_53 = tpu.memref_slice %arg3[%add3A_52] : memref<640000xi32, #tpu.memory_space<hbm>> -> memref<80xi32, #tpu.memory_space<hbm>>
    %dma_start3A_54 = tpu.memref_slice %arg3[%add3A_52] : memref<640000xi32, #tpu.memory_space<hbm>> -> memref<80xi32, #tpu.memory_space<hbm>>
    tpu.enqueue_dma source(%dma_start3A_54 : memref<80xi32, #tpu.memory_space<hbm>>) target(%arg6 : memref<80xi32, #tpu.memory_space<vmem>>) target_semaphore(%arg14 : memref<!tpu.dma_semaphore, #tpu.memory_space<semaphore_mem>>)
    %dma_start3A_55 = arith.constant 80 : i32
    %dma_start3A_56 = tpu.memref_slice %arg5[%dma_start3A_55] : memref<10000xi32, #tpu.memory_space<vmem>> -> memref<80xi32, #tpu.memory_space<vmem>>
    %dma_start3A_57 = arith.constant 0 : i32
    %dma_start3A_58 = arith.constant 0 : i32
    %dma_start3A_59 = tpu.memref_slice %arg2[%dma_start3A_57, %dma_start3A_58] : memref<10000x128xf32, #tpu.memory_space<hbm>> -> memref<10000x128xf32, #tpu.memory_space<hbm>>
    tpu.enqueue_indirect_dma source(%dma_start3A_59 : memref<10000x128xf32, #tpu.memory_space<hbm>>) target(%arg10 : memref<80x128xf32, #tpu.memory_space<vmem>>) offsets(%dma_start3A_56 : memref<80xi32, #tpu.memory_space<vmem>>) semaphore(%arg15 : memref<!tpu.dma_semaphore, #tpu.memory_space<semaphore_mem>>)
    %add3A_60 = arith.constant 320000 : i32
    %add3A_61 = arith.addi %add3A_60, %mul3A_2 : i32
    %add3A_62 = arith.constant 80 : i32
    %add3A_63 = arith.addi %add3A_61, %add3A_62 : i32
    %dma_start3A_64 = tpu.memref_slice %arg3[%add3A_63] : memref<640000xi32, #tpu.memory_space<hbm>> -> memref<80xi32, #tpu.memory_space<hbm>>
    %dma_start3A_65 = tpu.memref_slice %arg3[%add3A_63] : memref<640000xi32, #tpu.memory_space<hbm>> -> memref<80xi32, #tpu.memory_space<hbm>>
    tpu.enqueue_dma source(%dma_start3A_65 : memref<80xi32, #tpu.memory_space<hbm>>) target(%arg7 : memref<80xi32, #tpu.memory_space<vmem>>) target_semaphore(%arg15 : memref<!tpu.dma_semaphore, #tpu.memory_space<semaphore_mem>>)
    %dma_start3A_66 = arith.constant 160 : i32
    %dma_start3A_67 = tpu.memref_slice %arg5[%dma_start3A_66] : memref<10000xi32, #tpu.memory_space<vmem>> -> memref<80xi32, #tpu.memory_space<vmem>>
    %dma_start3A_68 = arith.constant 0 : i32
    %dma_start3A_69 = arith.constant 0 : i32
    %dma_start3A_70 = tpu.memref_slice %arg2[%dma_start3A_68, %dma_start3A_69] : memref<10000x128xf32, #tpu.memory_space<hbm>> -> memref<10000x128xf32, #tpu.memory_space<hbm>>
    tpu.enqueue_indirect_dma source(%dma_start3A_70 : memref<10000x128xf32, #tpu.memory_space<hbm>>) target(%arg11 : memref<80x128xf32, #tpu.memory_space<vmem>>) offsets(%dma_start3A_67 : memref<80xi32, #tpu.memory_space<vmem>>) semaphore(%arg16 : memref<!tpu.dma_semaphore, #tpu.memory_space<semaphore_mem>>)
    %add3A_71 = arith.constant 320000 : i32
    %add3A_72 = arith.addi %add3A_71, %mul3A_2 : i32
    %add3A_73 = arith.constant 160 : i32
    %add3A_74 = arith.addi %add3A_72, %add3A_73 : i32
    %dma_start3A_75 = tpu.memref_slice %arg3[%add3A_74] : memref<640000xi32, #tpu.memory_space<hbm>> -> memref<80xi32, #tpu.memory_space<hbm>>
    %dma_start3A_76 = tpu.memref_slice %arg3[%add3A_74] : memref<640000xi32, #tpu.memory_space<hbm>> -> memref<80xi32, #tpu.memory_space<hbm>>
    tpu.enqueue_dma source(%dma_start3A_76 : memref<80xi32, #tpu.memory_space<hbm>>) target(%arg8 : memref<80xi32, #tpu.memory_space<vmem>>) target_semaphore(%arg16 : memref<!tpu.dma_semaphore, #tpu.memory_space<semaphore_mem>>)
    %barrier3A = arith.constant 0 : index
    tpu.barrier barrier_id(%barrier3A)
    %scan3A_77 = arith.constant 0 : i32
    %scan3A_78 = arith.constant 0 : i32
    %scan3A_79 = arith.constant 42 : i32
    %scan3A_80 = arith.addi %scan3A_78, %scan3A_79 : i32
    %scan3A_81 = arith.constant 1 : i32
    scf.for %scan3A_103 = %scan3A_78 to %scan3A_80 step %scan3A_81  : i32 {
      %mul3A_104 = arith.constant 3 : i32
      %mul3A_105 = arith.muli %mul3A_104, %scan3A_103 : i32
      %add3A_106 = arith.constant 0 : i32
      %add3A_107 = arith.addi %mul3A_105, %add3A_106 : i32
      %add3A_108 = arith.constant 3 : i32
      %add3A_109 = arith.addi %add3A_107, %add3A_108 : i32
      %lt3A = arith.constant 125 : i32
      %lt3A_110 = arith.cmpi slt, %add3A_107, %lt3A : i32
      %convert_element_type3A = arith.extui %lt3A_110 : i1 to i32
      %cond3A = arith.constant 0 : i32
      %cond3A_111 = arith.cmpi ne, %convert_element_type3A, %cond3A : i32
      scf.if %cond3A_111 {
        %dma_wait3A_149 = arith.constant 0 : i32
        %dma_wait3A_150 = arith.constant 0 : i32
        %dma_wait3A_151 = tpu.memref_slice %arg2[%dma_wait3A_149, %dma_wait3A_150] : memref<10000x128xf32, #tpu.memory_space<hbm>> -> memref<80x128xf32, #tpu.memory_space<hbm>>
        %dma_wait3A_152 = arith.constant 0 : i32
        %dma_wait3A_153 = arith.constant 0 : i32
        %dma_wait3A_154 = tpu.memref_slice %arg2[%dma_wait3A_152, %dma_wait3A_153] : memref<10000x128xf32, #tpu.memory_space<hbm>> -> memref<80x128xf32, #tpu.memory_space<hbm>>
        tpu.wait_dma2 semaphore(%arg14 : memref<!tpu.dma_semaphore, #tpu.memory_space<semaphore_mem>>) src(%dma_wait3A_154 : memref<80x128xf32, #tpu.memory_space<hbm>>) dst(%arg9 : memref<80x128xf32, #tpu.memory_space<vmem>>)
        %dma_wait3A_155 = arith.constant 0 : i32
        %dma_wait3A_156 = tpu.memref_slice %arg3[%dma_wait3A_155] : memref<640000xi32, #tpu.memory_space<hbm>> -> memref<80xi32, #tpu.memory_space<hbm>>
        %dma_wait3A_157 = arith.constant 0 : i32
        %dma_wait3A_158 = tpu.memref_slice %arg3[%dma_wait3A_157] : memref<640000xi32, #tpu.memory_space<hbm>> -> memref<80xi32, #tpu.memory_space<hbm>>
        tpu.wait_dma2 semaphore(%arg14 : memref<!tpu.dma_semaphore, #tpu.memory_space<semaphore_mem>>) src(%dma_wait3A_158 : memref<80xi32, #tpu.memory_space<hbm>>) dst(%arg6 : memref<80xi32, #tpu.memory_space<vmem>>)
        %dma_start3A_159 = arith.constant 0 : i32
        %dma_start3A_160 = arith.constant 0 : i32
        %dma_start3A_161 = tpu.memref_slice %arg12[%dma_start3A_159, %dma_start3A_160] : memref<10000x128xf32, #tpu.memory_space<vmem_shared>> -> memref<10000x128xf32, #tpu.memory_space<vmem_shared>>
        tpu.enqueue_indirect_dma source(%arg9 : memref<80x128xf32, #tpu.memory_space<vmem>>) target(%dma_start3A_161 : memref<10000x128xf32, #tpu.memory_space<vmem_shared>>) offsets(%arg6 : memref<80xi32, #tpu.memory_space<vmem>>) semaphore(%arg17 : memref<!tpu.dma_semaphore, #tpu.memory_space<semaphore_mem>>) {add = true}
      } else {
      }
      %lt3A_112 = arith.constant 125 : i32
      %lt3A_113 = arith.cmpi slt, %add3A_109, %lt3A_112 : i32
      %convert_element_type3A_114 = arith.extui %lt3A_113 : i1 to i32
      %cond3A_115 = arith.constant 0 : i32
      %cond3A_116 = arith.cmpi ne, %convert_element_type3A_114, %cond3A_115 : i32
      scf.if %cond3A_116 {
        %dma_wait3A_149 = arith.constant 0 : i32
        %dma_wait3A_150 = arith.constant 0 : i32
        %dma_wait3A_151 = tpu.memref_slice %arg12[%dma_wait3A_149, %dma_wait3A_150] : memref<10000x128xf32, #tpu.memory_space<vmem_shared>> -> memref<10000x128xf32, #tpu.memory_space<vmem_shared>>
        tpu.wait_indirect_dma semaphore(%arg17 : memref<!tpu.dma_semaphore, #tpu.memory_space<semaphore_mem>>) src(%arg9 : memref<80x128xf32, #tpu.memory_space<vmem>>) dst(%dma_wait3A_151 : memref<10000x128xf32, #tpu.memory_space<vmem_shared>>)
        %mul3A_152 = arith.constant 80 : i32
        %mul3A_153 = arith.muli %add3A_109, %mul3A_152 : i32
        %dma_start3A_154 = tpu.memref_slice %arg5[%mul3A_153] : memref<10000xi32, #tpu.memory_space<vmem>> -> memref<80xi32, #tpu.memory_space<vmem>>
        %dma_start3A_155 = arith.constant 0 : i32
        %dma_start3A_156 = arith.constant 0 : i32
        %dma_start3A_157 = tpu.memref_slice %arg2[%dma_start3A_155, %dma_start3A_156] : memref<10000x128xf32, #tpu.memory_space<hbm>> -> memref<10000x128xf32, #tpu.memory_space<hbm>>
        tpu.enqueue_indirect_dma source(%dma_start3A_157 : memref<10000x128xf32, #tpu.memory_space<hbm>>) target(%arg9 : memref<80x128xf32, #tpu.memory_space<vmem>>) offsets(%dma_start3A_154 : memref<80xi32, #tpu.memory_space<vmem>>) semaphore(%arg14 : memref<!tpu.dma_semaphore, #tpu.memory_space<semaphore_mem>>)
        %add3A_158 = arith.constant 320000 : i32
        %add3A_159 = arith.addi %add3A_158, %mul3A_2 : i32
        %mul3A_160 = arith.constant 80 : i32
        %mul3A_161 = arith.muli %add3A_109, %mul3A_160 : i32
        %add3A_162 = arith.addi %add3A_159, %mul3A_161 : i32
        %dma_start3A_163 = tpu.memref_slice %arg3[%add3A_162] : memref<640000xi32, #tpu.memory_space<hbm>> -> memref<80xi32, #tpu.memory_space<hbm>>
        %dma_start3A_164 = tpu.memref_slice %arg3[%add3A_162] : memref<640000xi32, #tpu.memory_space<hbm>> -> memref<80xi32, #tpu.memory_space<hbm>>
        tpu.enqueue_dma source(%dma_start3A_164 : memref<80xi32, #tpu.memory_space<hbm>>) target(%arg6 : memref<80xi32, #tpu.memory_space<vmem>>) target_semaphore(%arg14 : memref<!tpu.dma_semaphore, #tpu.memory_space<semaphore_mem>>)
      } else {
      }
      %mul3A_117 = arith.constant 3 : i32
      %mul3A_118 = arith.muli %mul3A_117, %scan3A_103 : i32
      %add3A_119 = arith.constant 1 : i32
      %add3A_120 = arith.addi %mul3A_118, %add3A_119 : i32
      %add3A_121 = arith.constant 3 : i32
      %add3A_122 = arith.addi %add3A_120, %add3A_121 : i32
      %lt3A_123 = arith.constant 125 : i32
      %lt3A_124 = arith.cmpi slt, %add3A_120, %lt3A_123 : i32
      %convert_element_type3A_125 = arith.extui %lt3A_124 : i1 to i32
      %cond3A_126 = arith.constant 0 : i32
      %cond3A_127 = arith.cmpi ne, %convert_element_type3A_125, %cond3A_126 : i32
      scf.if %cond3A_127 {
        %dma_wait3A_149 = arith.constant 0 : i32
        %dma_wait3A_150 = arith.constant 0 : i32
        %dma_wait3A_151 = tpu.memref_slice %arg2[%dma_wait3A_149, %dma_wait3A_150] : memref<10000x128xf32, #tpu.memory_space<hbm>> -> memref<80x128xf32, #tpu.memory_space<hbm>>
        %dma_wait3A_152 = arith.constant 0 : i32
        %dma_wait3A_153 = arith.constant 0 : i32
        %dma_wait3A_154 = tpu.memref_slice %arg2[%dma_wait3A_152, %dma_wait3A_153] : memref<10000x128xf32, #tpu.memory_space<hbm>> -> memref<80x128xf32, #tpu.memory_space<hbm>>
        tpu.wait_dma2 semaphore(%arg15 : memref<!tpu.dma_semaphore, #tpu.memory_space<semaphore_mem>>) src(%dma_wait3A_154 : memref<80x128xf32, #tpu.memory_space<hbm>>) dst(%arg10 : memref<80x128xf32, #tpu.memory_space<vmem>>)
        %dma_wait3A_155 = arith.constant 0 : i32
        %dma_wait3A_156 = tpu.memref_slice %arg3[%dma_wait3A_155] : memref<640000xi32, #tpu.memory_space<hbm>> -> memref<80xi32, #tpu.memory_space<hbm>>
        %dma_wait3A_157 = arith.constant 0 : i32
        %dma_wait3A_158 = tpu.memref_slice %arg3[%dma_wait3A_157] : memref<640000xi32, #tpu.memory_space<hbm>> -> memref<80xi32, #tpu.memory_space<hbm>>
        tpu.wait_dma2 semaphore(%arg15 : memref<!tpu.dma_semaphore, #tpu.memory_space<semaphore_mem>>) src(%dma_wait3A_158 : memref<80xi32, #tpu.memory_space<hbm>>) dst(%arg7 : memref<80xi32, #tpu.memory_space<vmem>>)
        %dma_start3A_159 = arith.constant 0 : i32
        %dma_start3A_160 = arith.constant 0 : i32
        %dma_start3A_161 = tpu.memref_slice %arg12[%dma_start3A_159, %dma_start3A_160] : memref<10000x128xf32, #tpu.memory_space<vmem_shared>> -> memref<10000x128xf32, #tpu.memory_space<vmem_shared>>
        tpu.enqueue_indirect_dma source(%arg10 : memref<80x128xf32, #tpu.memory_space<vmem>>) target(%dma_start3A_161 : memref<10000x128xf32, #tpu.memory_space<vmem_shared>>) offsets(%arg7 : memref<80xi32, #tpu.memory_space<vmem>>) semaphore(%arg18 : memref<!tpu.dma_semaphore, #tpu.memory_space<semaphore_mem>>) {add = true}
      } else {
      }
      %lt3A_128 = arith.constant 125 : i32
      %lt3A_129 = arith.cmpi slt, %add3A_122, %lt3A_128 : i32
      %convert_element_type3A_130 = arith.extui %lt3A_129 : i1 to i32
      %cond3A_131 = arith.constant 0 : i32
      %cond3A_132 = arith.cmpi ne, %convert_element_type3A_130, %cond3A_131 : i32
      scf.if %cond3A_132 {
        %dma_wait3A_149 = arith.constant 0 : i32
        %dma_wait3A_150 = arith.constant 0 : i32
        %dma_wait3A_151 = tpu.memref_slice %arg12[%dma_wait3A_149, %dma_wait3A_150] : memref<10000x128xf32, #tpu.memory_space<vmem_shared>> -> memref<10000x128xf32, #tpu.memory_space<vmem_shared>>
        tpu.wait_indirect_dma semaphore(%arg18 : memref<!tpu.dma_semaphore, #tpu.memory_space<semaphore_mem>>) src(%arg10 : memref<80x128xf32, #tpu.memory_space<vmem>>) dst(%dma_wait3A_151 : memref<10000x128xf32, #tpu.memory_space<vmem_shared>>)
        %mul3A_152 = arith.constant 80 : i32
        %mul3A_153 = arith.muli %add3A_122, %mul3A_152 : i32
        %dma_start3A_154 = tpu.memref_slice %arg5[%mul3A_153] : memref<10000xi32, #tpu.memory_space<vmem>> -> memref<80xi32, #tpu.memory_space<vmem>>
        %dma_start3A_155 = arith.constant 0 : i32
        %dma_start3A_156 = arith.constant 0 : i32
        %dma_start3A_157 = tpu.memref_slice %arg2[%dma_start3A_155, %dma_start3A_156] : memref<10000x128xf32, #tpu.memory_space<hbm>> -> memref<10000x128xf32, #tpu.memory_space<hbm>>
        tpu.enqueue_indirect_dma source(%dma_start3A_157 : memref<10000x128xf32, #tpu.memory_space<hbm>>) target(%arg10 : memref<80x128xf32, #tpu.memory_space<vmem>>) offsets(%dma_start3A_154 : memref<80xi32, #tpu.memory_space<vmem>>) semaphore(%arg15 : memref<!tpu.dma_semaphore, #tpu.memory_space<semaphore_mem>>)
        %add3A_158 = arith.constant 320000 : i32
        %add3A_159 = arith.addi %add3A_158, %mul3A_2 : i32
        %mul3A_160 = arith.constant 80 : i32
        %mul3A_161 = arith.muli %add3A_122, %mul3A_160 : i32
        %add3A_162 = arith.addi %add3A_159, %mul3A_161 : i32
        %dma_start3A_163 = tpu.memref_slice %arg3[%add3A_162] : memref<640000xi32, #tpu.memory_space<hbm>> -> memref<80xi32, #tpu.memory_space<hbm>>
        %dma_start3A_164 = tpu.memref_slice %arg3[%add3A_162] : memref<640000xi32, #tpu.memory_space<hbm>> -> memref<80xi32, #tpu.memory_space<hbm>>
        tpu.enqueue_dma source(%dma_start3A_164 : memref<80xi32, #tpu.memory_space<hbm>>) target(%arg7 : memref<80xi32, #tpu.memory_space<vmem>>) target_semaphore(%arg15 : memref<!tpu.dma_semaphore, #tpu.memory_space<semaphore_mem>>)
      } else {
      }
      %mul3A_133 = arith.constant 3 : i32
      %mul3A_134 = arith.muli %mul3A_133, %scan3A_103 : i32
      %add3A_135 = arith.constant 2 : i32
      %add3A_136 = arith.addi %mul3A_134, %add3A_135 : i32
      %add3A_137 = arith.constant 3 : i32
      %add3A_138 = arith.addi %add3A_136, %add3A_137 : i32
      %lt3A_139 = arith.constant 125 : i32
      %lt3A_140 = arith.cmpi slt, %add3A_136, %lt3A_139 : i32
      %convert_element_type3A_141 = arith.extui %lt3A_140 : i1 to i32
      %cond3A_142 = arith.constant 0 : i32
      %cond3A_143 = arith.cmpi ne, %convert_element_type3A_141, %cond3A_142 : i32
      scf.if %cond3A_143 {
        %dma_wait3A_149 = arith.constant 0 : i32
        %dma_wait3A_150 = arith.constant 0 : i32
        %dma_wait3A_151 = tpu.memref_slice %arg2[%dma_wait3A_149, %dma_wait3A_150] : memref<10000x128xf32, #tpu.memory_space<hbm>> -> memref<80x128xf32, #tpu.memory_space<hbm>>
        %dma_wait3A_152 = arith.constant 0 : i32
        %dma_wait3A_153 = arith.constant 0 : i32
        %dma_wait3A_154 = tpu.memref_slice %arg2[%dma_wait3A_152, %dma_wait3A_153] : memref<10000x128xf32, #tpu.memory_space<hbm>> -> memref<80x128xf32, #tpu.memory_space<hbm>>
        tpu.wait_dma2 semaphore(%arg16 : memref<!tpu.dma_semaphore, #tpu.memory_space<semaphore_mem>>) src(%dma_wait3A_154 : memref<80x128xf32, #tpu.memory_space<hbm>>) dst(%arg11 : memref<80x128xf32, #tpu.memory_space<vmem>>)
        %dma_wait3A_155 = arith.constant 0 : i32
        %dma_wait3A_156 = tpu.memref_slice %arg3[%dma_wait3A_155] : memref<640000xi32, #tpu.memory_space<hbm>> -> memref<80xi32, #tpu.memory_space<hbm>>
        %dma_wait3A_157 = arith.constant 0 : i32
        %dma_wait3A_158 = tpu.memref_slice %arg3[%dma_wait3A_157] : memref<640000xi32, #tpu.memory_space<hbm>> -> memref<80xi32, #tpu.memory_space<hbm>>
        tpu.wait_dma2 semaphore(%arg16 : memref<!tpu.dma_semaphore, #tpu.memory_space<semaphore_mem>>) src(%dma_wait3A_158 : memref<80xi32, #tpu.memory_space<hbm>>) dst(%arg8 : memref<80xi32, #tpu.memory_space<vmem>>)
        %dma_start3A_159 = arith.constant 0 : i32
        %dma_start3A_160 = arith.constant 0 : i32
        %dma_start3A_161 = tpu.memref_slice %arg12[%dma_start3A_159, %dma_start3A_160] : memref<10000x128xf32, #tpu.memory_space<vmem_shared>> -> memref<10000x128xf32, #tpu.memory_space<vmem_shared>>
        tpu.enqueue_indirect_dma source(%arg11 : memref<80x128xf32, #tpu.memory_space<vmem>>) target(%dma_start3A_161 : memref<10000x128xf32, #tpu.memory_space<vmem_shared>>) offsets(%arg8 : memref<80xi32, #tpu.memory_space<vmem>>) semaphore(%arg19 : memref<!tpu.dma_semaphore, #tpu.memory_space<semaphore_mem>>) {add = true}
      } else {
      }
      %lt3A_144 = arith.constant 125 : i32
      %lt3A_145 = arith.cmpi slt, %add3A_138, %lt3A_144 : i32
      %convert_element_type3A_146 = arith.extui %lt3A_145 : i1 to i32
      %cond3A_147 = arith.constant 0 : i32
      %cond3A_148 = arith.cmpi ne, %convert_element_type3A_146, %cond3A_147 : i32
      scf.if %cond3A_148 {
        %dma_wait3A_149 = arith.constant 0 : i32
        %dma_wait3A_150 = arith.constant 0 : i32
        %dma_wait3A_151 = tpu.memref_slice %arg12[%dma_wait3A_149, %dma_wait3A_150] : memref<10000x128xf32, #tpu.memory_space<vmem_shared>> -> memref<10000x128xf32, #tpu.memory_space<vmem_shared>>
        tpu.wait_indirect_dma semaphore(%arg19 : memref<!tpu.dma_semaphore, #tpu.memory_space<semaphore_mem>>) src(%arg11 : memref<80x128xf32, #tpu.memory_space<vmem>>) dst(%dma_wait3A_151 : memref<10000x128xf32, #tpu.memory_space<vmem_shared>>)
        %mul3A_152 = arith.constant 80 : i32
        %mul3A_153 = arith.muli %add3A_138, %mul3A_152 : i32
        %dma_start3A_154 = tpu.memref_slice %arg5[%mul3A_153] : memref<10000xi32, #tpu.memory_space<vmem>> -> memref<80xi32, #tpu.memory_space<vmem>>
        %dma_start3A_155 = arith.constant 0 : i32
        %dma_start3A_156 = arith.constant 0 : i32
        %dma_start3A_157 = tpu.memref_slice %arg2[%dma_start3A_155, %dma_start3A_156] : memref<10000x128xf32, #tpu.memory_space<hbm>> -> memref<10000x128xf32, #tpu.memory_space<hbm>>
        tpu.enqueue_indirect_dma source(%dma_start3A_157 : memref<10000x128xf32, #tpu.memory_space<hbm>>) target(%arg11 : memref<80x128xf32, #tpu.memory_space<vmem>>) offsets(%dma_start3A_154 : memref<80xi32, #tpu.memory_space<vmem>>) semaphore(%arg16 : memref<!tpu.dma_semaphore, #tpu.memory_space<semaphore_mem>>)
        %add3A_158 = arith.constant 320000 : i32
        %add3A_159 = arith.addi %add3A_158, %mul3A_2 : i32
        %mul3A_160 = arith.constant 80 : i32
        %mul3A_161 = arith.muli %add3A_138, %mul3A_160 : i32
        %add3A_162 = arith.addi %add3A_159, %mul3A_161 : i32
        %dma_start3A_163 = tpu.memref_slice %arg3[%add3A_162] : memref<640000xi32, #tpu.memory_space<hbm>> -> memref<80xi32, #tpu.memory_space<hbm>>
        %dma_start3A_164 = tpu.memref_slice %arg3[%add3A_162] : memref<640000xi32, #tpu.memory_space<hbm>> -> memref<80xi32, #tpu.memory_space<hbm>>
        tpu.enqueue_dma source(%dma_start3A_164 : memref<80xi32, #tpu.memory_space<hbm>>) target(%arg8 : memref<80xi32, #tpu.memory_space<vmem>>) target_semaphore(%arg16 : memref<!tpu.dma_semaphore, #tpu.memory_space<semaphore_mem>>)
      } else {
      }
    }
    %scan3A_82 = arith.constant 42 : i32
    %dma_wait3A_83 = arith.constant 0 : i32
    %dma_wait3A_84 = arith.constant 0 : i32
    %dma_wait3A_85 = tpu.memref_slice %arg12[%dma_wait3A_83, %dma_wait3A_84] : memref<10000x128xf32, #tpu.memory_space<vmem_shared>> -> memref<10000x128xf32, #tpu.memory_space<vmem_shared>>
    tpu.wait_indirect_dma semaphore(%arg17 : memref<!tpu.dma_semaphore, #tpu.memory_space<semaphore_mem>>) src(%arg9 : memref<80x128xf32, #tpu.memory_space<vmem>>) dst(%dma_wait3A_85 : memref<10000x128xf32, #tpu.memory_space<vmem_shared>>)
    %dma_wait3A_86 = arith.constant 0 : i32
    %dma_wait3A_87 = arith.constant 0 : i32
    %dma_wait3A_88 = tpu.memref_slice %arg12[%dma_wait3A_86, %dma_wait3A_87] : memref<10000x128xf32, #tpu.memory_space<vmem_shared>> -> memref<10000x128xf32, #tpu.memory_space<vmem_shared>>
    tpu.wait_indirect_dma semaphore(%arg18 : memref<!tpu.dma_semaphore, #tpu.memory_space<semaphore_mem>>) src(%arg10 : memref<80x128xf32, #tpu.memory_space<vmem>>) dst(%dma_wait3A_88 : memref<10000x128xf32, #tpu.memory_space<vmem_shared>>)
    %dma_wait3A_89 = arith.constant 0 : i32
    %dma_wait3A_90 = arith.constant 0 : i32
    %dma_wait3A_91 = tpu.memref_slice %arg12[%dma_wait3A_89, %dma_wait3A_90] : memref<10000x128xf32, #tpu.memory_space<vmem_shared>> -> memref<10000x128xf32, #tpu.memory_space<vmem_shared>>
    tpu.wait_indirect_dma semaphore(%arg19 : memref<!tpu.dma_semaphore, #tpu.memory_space<semaphore_mem>>) src(%arg11 : memref<80x128xf32, #tpu.memory_space<vmem>>) dst(%dma_wait3A_91 : memref<10000x128xf32, #tpu.memory_space<vmem_shared>>)
    %barrier3A_92 = arith.constant 0 : index
    tpu.barrier barrier_id(%barrier3A_92)
    %while3A_93 = arith.constant 0 : i32
    %while3A_94 = arith.constant 0 : i32
    %while3A_95 = arith.subi %select_n3A, %while3A_94 : i32
    %while3A_96 = arith.addi %while3A_94, %while3A_95 : i32
    %while3A_97 = arith.constant 1 : i32
    %while3A_98 = arith.divsi %while3A_95, %while3A_97 : i32
    %while3A_99 = arith.muli %while3A_98, %while3A_97 : i32
    %while3A_100 = arith.addi %while3A_94, %while3A_99 : i32
    %while3A_101 = arith.constant 1 : i32
    scf.for %while3A_103 = %while3A_94 to %while3A_100 step %while3A_101  : i32 {
      %mul3A_104 = arith.constant 16 : i32
      %mul3A_105 = arith.muli %while3A_103, %mul3A_104 : i32
      %add3A_106 = arith.addi %arg1, %mul3A_105 : i32
      %mul3A_107 = arith.constant 80 : i32
      %mul3A_108 = arith.muli %add3A_106, %mul3A_107 : i32
      "tpu.region"() ({
        %run_scoped3A = tpu.sem_alloc : memref<!tpu.dma_semaphore, #tpu.memory_space<semaphore_mem>>
        %dma_start3A_109 = arith.constant 0 : i32
        %dma_start3A_110 = tpu.memref_slice %arg4[%arg0, %mul3A_108, %dma_start3A_109] : memref<2x10000x128xf32, #tpu.memory_space<hbm>> -> memref<1x80x128xf32, #tpu.memory_space<hbm>>
        %dma_start3A_111 = tpu.memref_squeeze %dma_start3A_110 : memref<1x80x128xf32, #tpu.memory_space<hbm>> -> memref<80x128xf32, #tpu.memory_space<hbm>>
        %dma_start3A_112 = arith.constant 0 : i32
        %dma_start3A_113 = tpu.memref_slice %arg12[%mul3A_108, %dma_start3A_112] : memref<10000x128xf32, #tpu.memory_space<vmem_shared>> -> memref<80x128xf32, #tpu.memory_space<vmem_shared>>
        tpu.enqueue_dma source(%dma_start3A_113 : memref<80x128xf32, #tpu.memory_space<vmem_shared>>) target(%dma_start3A_111 : memref<80x128xf32, #tpu.memory_space<hbm>>) target_semaphore(%run_scoped3A : memref<!tpu.dma_semaphore, #tpu.memory_space<semaphore_mem>>)
        %dma_wait3A_114 = arith.constant 0 : i32
        %dma_wait3A_115 = tpu.memref_slice %arg4[%arg0, %mul3A_108, %dma_wait3A_114] : memref<2x10000x128xf32, #tpu.memory_space<hbm>> -> memref<1x80x128xf32, #tpu.memory_space<hbm>>
        %dma_wait3A_116 = tpu.memref_squeeze %dma_wait3A_115 : memref<1x80x128xf32, #tpu.memory_space<hbm>> -> memref<80x128xf32, #tpu.memory_space<hbm>>
        %dma_wait3A_117 = arith.constant 0 : i32
        %dma_wait3A_118 = tpu.memref_slice %arg12[%mul3A_108, %dma_wait3A_117] : memref<10000x128xf32, #tpu.memory_space<vmem_shared>> -> memref<80x128xf32, #tpu.memory_space<vmem_shared>>
        tpu.wait_dma2 semaphore(%run_scoped3A : memref<!tpu.dma_semaphore, #tpu.memory_space<semaphore_mem>>) src(%dma_wait3A_118 : memref<80x128xf32, #tpu.memory_space<vmem_shared>>) dst(%dma_wait3A_116 : memref<80x128xf32, #tpu.memory_space<hbm>>)
        tpu.yield
      }) : () -> ()
    }
    %while3A_102 = arith.constant 1 : i32
    scf.for %while3A_103 = %while3A_100 to %while3A_96 step %while3A_102  : i32 {
      %mul3A_104 = arith.constant 16 : i32
      %mul3A_105 = arith.muli %while3A_103, %mul3A_104 : i32
      %add3A_106 = arith.addi %arg1, %mul3A_105 : i32
      %mul3A_107 = arith.constant 80 : i32
      %mul3A_108 = arith.muli %add3A_106, %mul3A_107 : i32
      "tpu.region"() ({
        %run_scoped3A = tpu.sem_alloc : memref<!tpu.dma_semaphore, #tpu.memory_space<semaphore_mem>>
        %dma_start3A_109 = arith.constant 0 : i32
        %dma_start3A_110 = tpu.memref_slice %arg4[%arg0, %mul3A_108, %dma_start3A_109] : memref<2x10000x128xf32, #tpu.memory_space<hbm>> -> memref<1x80x128xf32, #tpu.memory_space<hbm>>
        %dma_start3A_111 = tpu.memref_squeeze %dma_start3A_110 : memref<1x80x128xf32, #tpu.memory_space<hbm>> -> memref<80x128xf32, #tpu.memory_space<hbm>>
        %dma_start3A_112 = arith.constant 0 : i32
        %dma_start3A_113 = tpu.memref_slice %arg12[%mul3A_108, %dma_start3A_112] : memref<10000x128xf32, #tpu.memory_space<vmem_shared>> -> memref<80x128xf32, #tpu.memory_space<vmem_shared>>
        tpu.enqueue_dma source(%dma_start3A_113 : memref<80x128xf32, #tpu.memory_space<vmem_shared>>) target(%dma_start3A_111 : memref<80x128xf32, #tpu.memory_space<hbm>>) target_semaphore(%run_scoped3A : memref<!tpu.dma_semaphore, #tpu.memory_space<semaphore_mem>>)
        %dma_wait3A_114 = arith.constant 0 : i32
        %dma_wait3A_115 = tpu.memref_slice %arg4[%arg0, %mul3A_108, %dma_wait3A_114] : memref<2x10000x128xf32, #tpu.memory_space<hbm>> -> memref<1x80x128xf32, #tpu.memory_space<hbm>>
        %dma_wait3A_116 = tpu.memref_squeeze %dma_wait3A_115 : memref<1x80x128xf32, #tpu.memory_space<hbm>> -> memref<80x128xf32, #tpu.memory_space<hbm>>
        %dma_wait3A_117 = arith.constant 0 : i32
        %dma_wait3A_118 = tpu.memref_slice %arg12[%mul3A_108, %dma_wait3A_117] : memref<10000x128xf32, #tpu.memory_space<vmem_shared>> -> memref<80x128xf32, #tpu.memory_space<vmem_shared>>
        tpu.wait_dma2 semaphore(%run_scoped3A : memref<!tpu.dma_semaphore, #tpu.memory_space<semaphore_mem>>) src(%dma_wait3A_118 : memref<80x128xf32, #tpu.memory_space<vmem_shared>>) dst(%dma_wait3A_116 : memref<80x128xf32, #tpu.memory_space<hbm>>)
        tpu.yield
      }) : () -> ()
    }
    return
  }
}

#map = affine_map<(d0, d1) -> (0, 0)>
#map1 = affine_map<(d0, d1) -> (0)>
#map2 = affine_map<(d0, d1) -> (0, 0, 0)>
module attributes {stable_mosaic.version = 14 : i64} {
  func.func @agg(%arg0: i32, %arg1: i32, %arg2: memref<10000x128xf32, #tpu.memory_space<hbm>>, %arg3: memref<640000xi32, #tpu.memory_space<hbm>>, %arg4: memref<2x10000x128xf32, #tpu.memory_space<hbm>>, %arg5: memref<10000xi32, #tpu.memory_space<vmem>>, %arg6: memref<80xi32, #tpu.memory_space<vmem>>, %arg7: memref<80xi32, #tpu.memory_space<vmem>>, %arg8: memref<80xi32, #tpu.memory_space<vmem>>, %arg9: memref<80x128xf32, #tpu.memory_space<vmem>>, %arg10: memref<80x128xf32, #tpu.memory_space<vmem>>, %arg11: memref<80x128xf32, #tpu.memory_space<vmem>>, %arg12: memref<10000x128xf32, #tpu.memory_space<vmem_shared>>, %arg13: memref<!tpu.dma_semaphore, #tpu.memory_space<semaphore_mem>>, %arg14: memref<!tpu.dma_semaphore, #tpu.memory_space<semaphore_mem>>, %arg15: memref<!tpu.dma_semaphore, #tpu.memory_space<semaphore_mem>>, %arg16: memref<!tpu.dma_semaphore, #tpu.memory_space<semaphore_mem>>, %arg17: memref<!tpu.dma_semaphore, #tpu.memory_space<semaphore_mem>>, %arg18: memref<!tpu.dma_semaphore, #tpu.memory_space<semaphore_mem>>, %arg19: memref<!tpu.dma_semaphore, #tpu.memory_space<semaphore_mem>>) attributes {dimension_semantics = [#tpu.dimension_semantics<core_parallel>, #tpu.dimension_semantics<subcore_parallel>], iteration_bounds = array<i64: 2, 16>, scalar_prefetch = 0 : i64, scratch_operands = 15 : i64, tpu.core_type = #tpu.core_type<sc_vector_subcore>, window_params = [{transform_indices = #map}, {transform_indices = #map1}, {transform_indices = #map2}]} {
    %mul3A = arith.constant 2 : i32
    %mul3A_0 = arith.muli %arg1, %mul3A : i32
    %add3A = arith.addi %mul3A_0, %arg0 : i32
    %mul3A_1 = arith.constant 10000 : i32
    %mul3A_2 = arith.muli %add3A, %mul3A_1 : i32
    %dma_start3A = tpu.memref_slice %arg3[%mul3A_2] : memref<640000xi32, #tpu.memory_space<hbm>> -> memref<10000xi32, #tpu.memory_space<hbm>>
    %dma_start3A_3 = tpu.memref_slice %arg3[%mul3A_2] : memref<640000xi32, #tpu.memory_space<hbm>> -> memref<10000xi32, #tpu.memory_space<hbm>>
    tpu.enqueue_dma source(%dma_start3A_3 : memref<10000xi32, #tpu.memory_space<hbm>>) target(%arg5 : memref<10000xi32, #tpu.memory_space<vmem>>) target_semaphore(%arg13 : memref<!tpu.dma_semaphore, #tpu.memory_space<semaphore_mem>>)
    %broadcast_in_dim3A = arith.constant 0.000000e+00 : f32
    %broadcast_in_dim3A_4 = vector.broadcast %broadcast_in_dim3A : f32 to vector<16xf32>
    %scan3A = arith.constant 0 : i32
    %scan3A_5 = arith.constant 0 : i32
    %scan3A_6 = arith.constant 80 : i32
    %scan3A_7 = arith.addi %scan3A_5, %scan3A_6 : i32
    %scan3A_8 = arith.constant 1 : i32
    scf.for %scan3A_103 = %scan3A_5 to %scan3A_7 step %scan3A_8  : i32 {
      %swap3A = arith.index_cast %scan3A_103 : i32 to index
      %swap3A_104 = arith.constant 0 : index
      %swap3A_105 = tpu.vector_load %arg9[%swap3A, %swap3A_104] {strides = array<i32>} : memref<80x128xf32, #tpu.memory_space<vmem>>, vector<1x16xf32>,
      %swap3A_106 = vector.shape_cast %swap3A_105 : vector<1x16xf32> to vector<16xf32>
      %swap3A_107 = vector.shape_cast %broadcast_in_dim3A_4 : vector<16xf32> to vector<1x16xf32>
      tpu.vector_store %arg9[%swap3A, %swap3A_104], %swap3A_107 {strides = array<i32>} : memref<80x128xf32, #tpu.memory_space<vmem>>, vector<1x16xf32>,
      %swap3A_108 = arith.index_cast %scan3A_103 : i32 to index
      %swap3A_109 = arith.constant 16 : index
      %swap3A_110 = tpu.vector_load %arg9[%swap3A_108, %swap3A_109] {strides = array<i32>} : memref<80x128xf32, #tpu.memory_space<vmem>>, vector<1x16xf32>,
      %swap3A_111 = vector.shape_cast %swap3A_110 : vector<1x16xf32> to vector<16xf32>
      %swap3A_112 = vector.shape_cast %broadcast_in_dim3A_4 : vector<16xf32> to vector<1x16xf32>
      tpu.vector_store %arg9[%swap3A_108, %swap3A_109], %swap3A_112 {strides = array<i32>} : memref<80x128xf32, #tpu.memory_space<vmem>>, vector<1x16xf32>,
      %swap3A_113 = arith.index_cast %scan3A_103 : i32 to index
      %swap3A_114 = arith.constant 32 : index
      %swap3A_115 = tpu.vector_load %arg9[%swap3A_113, %swap3A_114] {strides = array<i32>} : memref<80x128xf32, #tpu.memory_space<vmem>>, vector<1x16xf32>,
      %swap3A_116 = vector.shape_cast %swap3A_115 : vector<1x16xf32> to vector<16xf32>
      %swap3A_117 = vector.shape_cast %broadcast_in_dim3A_4 : vector<16xf32> to vector<1x16xf32>
      tpu.vector_store %arg9[%swap3A_113, %swap3A_114], %swap3A_117 {strides = array<i32>} : memref<80x128xf32, #tpu.memory_space<vmem>>, vector<1x16xf32>,
      %swap3A_118 = arith.index_cast %scan3A_103 : i32 to index
      %swap3A_119 = arith.constant 48 : index
      %swap3A_120 = tpu.vector_load %arg9[%swap3A_118, %swap3A_119] {strides = array<i32>} : memref<80x128xf32, #tpu.memory_space<vmem>>, vector<1x16xf32>,
      %swap3A_121 = vector.shape_cast %swap3A_120 : vector<1x16xf32> to vector<16xf32>
      %swap3A_122 = vector.shape_cast %broadcast_in_dim3A_4 : vector<16xf32> to vector<1x16xf32>
      tpu.vector_store %arg9[%swap3A_118, %swap3A_119], %swap3A_122 {strides = array<i32>} : memref<80x128xf32, #tpu.memory_space<vmem>>, vector<1x16xf32>,
      %swap3A_123 = arith.index_cast %scan3A_103 : i32 to index
      %swap3A_124 = arith.constant 64 : index
      %swap3A_125 = tpu.vector_load %arg9[%swap3A_123, %swap3A_124] {strides = array<i32>} : memref<80x128xf32, #tpu.memory_space<vmem>>, vector<1x16xf32>,
      %swap3A_126 = vector.shape_cast %swap3A_125 : vector<1x16xf32> to vector<16xf32>
      %swap3A_127 = vector.shape_cast %broadcast_in_dim3A_4 : vector<16xf32> to vector<1x16xf32>
      tpu.vector_store %arg9[%swap3A_123, %swap3A_124], %swap3A_127 {strides = array<i32>} : memref<80x128xf32, #tpu.memory_space<vmem>>, vector<1x16xf32>,
      %swap3A_128 = arith.index_cast %scan3A_103 : i32 to index
      %swap3A_129 = arith.constant 80 : index
      %swap3A_130 = tpu.vector_load %arg9[%swap3A_128, %swap3A_129] {strides = array<i32>} : memref<80x128xf32, #tpu.memory_space<vmem>>, vector<1x16xf32>,
      %swap3A_131 = vector.shape_cast %swap3A_130 : vector<1x16xf32> to vector<16xf32>
      %swap3A_132 = vector.shape_cast %broadcast_in_dim3A_4 : vector<16xf32> to vector<1x16xf32>
      tpu.vector_store %arg9[%swap3A_128, %swap3A_129], %swap3A_132 {strides = array<i32>} : memref<80x128xf32, #tpu.memory_space<vmem>>, vector<1x16xf32>,
      %swap3A_133 = arith.index_cast %scan3A_103 : i32 to index
      %swap3A_134 = arith.constant 96 : index
      %swap3A_135 = tpu.vector_load %arg9[%swap3A_133, %swap3A_134] {strides = array<i32>} : memref<80x128xf32, #tpu.memory_space<vmem>>, vector<1x16xf32>,
      %swap3A_136 = vector.shape_cast %swap3A_135 : vector<1x16xf32> to vector<16xf32>
      %swap3A_137 = vector.shape_cast %broadcast_in_dim3A_4 : vector<16xf32> to vector<1x16xf32>
      tpu.vector_store %arg9[%swap3A_133, %swap3A_134], %swap3A_137 {strides = array<i32>} : memref<80x128xf32, #tpu.memory_space<vmem>>, vector<1x16xf32>,
      %swap3A_138 = arith.index_cast %scan3A_103 : i32 to index
      %swap3A_139 = arith.constant 112 : index
      %swap3A_140 = tpu.vector_load %arg9[%swap3A_138, %swap3A_139] {strides = array<i32>} : memref<80x128xf32, #tpu.memory_space<vmem>>, vector<1x16xf32>,
      %swap3A_141 = vector.shape_cast %swap3A_140 : vector<1x16xf32> to vector<16xf32>
      %swap3A_142 = vector.shape_cast %broadcast_in_dim3A_4 : vector<16xf32> to vector<1x16xf32>
      tpu.vector_store %arg9[%swap3A_138, %swap3A_139], %swap3A_142 {strides = array<i32>} : memref<80x128xf32, #tpu.memory_space<vmem>>, vector<1x16xf32>,
    }
    %scan3A_9 = arith.constant 80 : i32
    %sub3A = arith.constant 125 : i32
    %sub3A_10 = arith.subi %sub3A, %arg1 : i32
    %add3A_11 = arith.constant 16 : i32
    %add3A_12 = arith.addi %sub3A_10, %add3A_11 : i32
    %sub3A_13 = arith.constant 1 : i32
    %sub3A_14 = arith.subi %add3A_12, %sub3A_13 : i32
    %jit3A = arith.constant 16 : i32
    %div3A = arith.divsi %sub3A_14, %jit3A : i32
    %sign3A = arith.constant 0 : i32
    %sign3A_15 = arith.cmpi sgt, %sub3A_14, %sign3A : i32
    %sign3A_16 = arith.extui %sign3A_15 : i1 to i32
    %sign3A_17 = arith.constant 0 : i32
    %sign3A_18 = arith.cmpi slt, %sub3A_14, %sign3A_17 : i32
    %sign3A_19 = arith.extui %sign3A_18 : i1 to i32
    %sign3A_20 = arith.subi %sign3A_16, %sign3A_19 : i32
    %sign3A_21 = arith.constant 0 : i32
    %sign3A_22 = arith.cmpi sgt, %jit3A, %sign3A_21 : i32
    %sign3A_23 = arith.extui %sign3A_22 : i1 to i32
    %sign3A_24 = arith.constant 0 : i32
    %sign3A_25 = arith.cmpi slt, %jit3A, %sign3A_24 : i32
    %sign3A_26 = arith.extui %sign3A_25 : i1 to i32
    %sign3A_27 = arith.subi %sign3A_23, %sign3A_26 : i32
    %ne3A = arith.cmpi ne, %sign3A_20, %sign3A_27 : i32
    %rem3A = arith.remsi %sub3A_14, %jit3A : i32
    %ne3A_28 = arith.constant 0 : i32
    %ne3A_29 = arith.cmpi ne, %rem3A, %ne3A_28 : i32
    %and3A = arith.andi %ne3A, %ne3A_29 : i1
    %sub3A_30 = arith.constant 1 : i32
    %sub3A_31 = arith.subi %div3A, %sub3A_30 : i32
    %select_n3A = arith.select %and3A, %sub3A_31, %div3A : i32
    %while3A = arith.constant 0 : i32
    %while3A_32 = arith.constant 0 : i32
    %while3A_33 = arith.subi %select_n3A, %while3A_32 : i32
    %while3A_34 = arith.addi %while3A_32, %while3A_33 : i32
    %while3A_35 = arith.constant 1 : i32
    %while3A_36 = arith.divsi %while3A_33, %while3A_35 : i32
    %while3A_37 = arith.muli %while3A_36, %while3A_35 : i32
    %while3A_38 = arith.addi %while3A_32, %while3A_37 : i32
    %while3A_39 = arith.constant 1 : i32
    scf.for %while3A_103 = %while3A_32 to %while3A_38 step %while3A_39  : i32 {
      %mul3A_104 = arith.constant 16 : i32
      %mul3A_105 = arith.muli %while3A_103, %mul3A_104 : i32
      %add3A_106 = arith.addi %arg1, %mul3A_105 : i32
      %mul3A_107 = arith.constant 80 : i32
      %mul3A_108 = arith.muli %add3A_106, %mul3A_107 : i32
      "tpu.region"() ({
        %run_scoped3A = tpu.sem_alloc : memref<!tpu.dma_semaphore, #tpu.memory_space<semaphore_mem>>
        %dma_start3A_109 = arith.constant 0 : i32
        %dma_start3A_110 = arith.constant 0 : i32
        %dma_start3A_111 = tpu.memref_slice %arg9[%dma_start3A_109, %dma_start3A_110] : memref<80x128xf32, #tpu.memory_space<vmem>> -> memref<80x128xf32, #tpu.memory_space<vmem>>
        %dma_start3A_112 = arith.constant 0 : i32
        %dma_start3A_113 = tpu.memref_slice %arg12[%mul3A_108, %dma_start3A_112] : memref<10000x128xf32, #tpu.memory_space<vmem_shared>> -> memref<80x128xf32, #tpu.memory_space<vmem_shared>>
        %dma_start3A_114 = arith.constant 0 : i32
        %dma_start3A_115 = tpu.memref_slice %arg12[%mul3A_108, %dma_start3A_114] : memref<10000x128xf32, #tpu.memory_space<vmem_shared>> -> memref<80x128xf32, #tpu.memory_space<vmem_shared>>
        %dma_start3A_116 = arith.constant 0 : i32
        %dma_start3A_117 = arith.constant 0 : i32
        %dma_start3A_118 = tpu.memref_slice %arg9[%dma_start3A_116, %dma_start3A_117] : memref<80x128xf32, #tpu.memory_space<vmem>> -> memref<80x128xf32, #tpu.memory_space<vmem>>
        tpu.enqueue_dma source(%dma_start3A_118 : memref<80x128xf32, #tpu.memory_space<vmem>>) target(%dma_start3A_115 : memref<80x128xf32, #tpu.memory_space<vmem_shared>>) target_semaphore(%run_scoped3A : memref<!tpu.dma_semaphore, #tpu.memory_space<semaphore_mem>>)
        %dma_wait3A_119 = arith.constant 0 : i32
        %dma_wait3A_120 = arith.constant 0 : i32
        %dma_wait3A_121 = tpu.memref_slice %arg9[%dma_wait3A_119, %dma_wait3A_120] : memref<80x128xf32, #tpu.memory_space<vmem>> -> memref<80x128xf32, #tpu.memory_space<vmem>>
        %dma_wait3A_122 = arith.constant 0 : i32
        %dma_wait3A_123 = tpu.memref_slice %arg12[%mul3A_108, %dma_wait3A_122] : memref<10000x128xf32, #tpu.memory_space<vmem_shared>> -> memref<80x128xf32, #tpu.memory_space<vmem_shared>>
        %dma_wait3A_124 = arith.constant 0 : i32
        %dma_wait3A_125 = tpu.memref_slice %arg12[%mul3A_108, %dma_wait3A_124] : memref<10000x128xf32, #tpu.memory_space<vmem_shared>> -> memref<80x128xf32, #tpu.memory_space<vmem_shared>>
        %dma_wait3A_126 = arith.constant 0 : i32
        %dma_wait3A_127 = arith.constant 0 : i32
        %dma_wait3A_128 = tpu.memref_slice %arg9[%dma_wait3A_126, %dma_wait3A_127] : memref<80x128xf32, #tpu.memory_space<vmem>> -> memref<80x128xf32, #tpu.memory_space<vmem>>
        tpu.wait_dma2 semaphore(%run_scoped3A : memref<!tpu.dma_semaphore, #tpu.memory_space<semaphore_mem>>) src(%dma_wait3A_128 : memref<80x128xf32, #tpu.memory_space<vmem>>) dst(%dma_wait3A_125 : memref<80x128xf32, #tpu.memory_space<vmem_shared>>)
        tpu.yield
      }) : () -> ()
    }
    %while3A_40 = arith.constant 1 : i32
    scf.for %while3A_103 = %while3A_38 to %while3A_34 step %while3A_40  : i32 {
      %mul3A_104 = arith.constant 16 : i32
      %mul3A_105 = arith.muli %while3A_103, %mul3A_104 : i32
      %add3A_106 = arith.addi %arg1, %mul3A_105 : i32
      %mul3A_107 = arith.constant 80 : i32
      %mul3A_108 = arith.muli %add3A_106, %mul3A_107 : i32
      "tpu.region"() ({
        %run_scoped3A = tpu.sem_alloc : memref<!tpu.dma_semaphore, #tpu.memory_space<semaphore_mem>>
        %dma_start3A_109 = arith.constant 0 : i32
        %dma_start3A_110 = arith.constant 0 : i32
        %dma_start3A_111 = tpu.memref_slice %arg9[%dma_start3A_109, %dma_start3A_110] : memref<80x128xf32, #tpu.memory_space<vmem>> -> memref<80x128xf32, #tpu.memory_space<vmem>>
        %dma_start3A_112 = arith.constant 0 : i32
        %dma_start3A_113 = tpu.memref_slice %arg12[%mul3A_108, %dma_start3A_112] : memref<10000x128xf32, #tpu.memory_space<vmem_shared>> -> memref<80x128xf32, #tpu.memory_space<vmem_shared>>
        %dma_start3A_114 = arith.constant 0 : i32
        %dma_start3A_115 = tpu.memref_slice %arg12[%mul3A_108, %dma_start3A_114] : memref<10000x128xf32, #tpu.memory_space<vmem_shared>> -> memref<80x128xf32, #tpu.memory_space<vmem_shared>>
        %dma_start3A_116 = arith.constant 0 : i32
        %dma_start3A_117 = arith.constant 0 : i32
        %dma_start3A_118 = tpu.memref_slice %arg9[%dma_start3A_116, %dma_start3A_117] : memref<80x128xf32, #tpu.memory_space<vmem>> -> memref<80x128xf32, #tpu.memory_space<vmem>>
        tpu.enqueue_dma source(%dma_start3A_118 : memref<80x128xf32, #tpu.memory_space<vmem>>) target(%dma_start3A_115 : memref<80x128xf32, #tpu.memory_space<vmem_shared>>) target_semaphore(%run_scoped3A : memref<!tpu.dma_semaphore, #tpu.memory_space<semaphore_mem>>)
        %dma_wait3A_119 = arith.constant 0 : i32
        %dma_wait3A_120 = arith.constant 0 : i32
        %dma_wait3A_121 = tpu.memref_slice %arg9[%dma_wait3A_119, %dma_wait3A_120] : memref<80x128xf32, #tpu.memory_space<vmem>> -> memref<80x128xf32, #tpu.memory_space<vmem>>
        %dma_wait3A_122 = arith.constant 0 : i32
        %dma_wait3A_123 = tpu.memref_slice %arg12[%mul3A_108, %dma_wait3A_122] : memref<10000x128xf32, #tpu.memory_space<vmem_shared>> -> memref<80x128xf32, #tpu.memory_space<vmem_shared>>
        %dma_wait3A_124 = arith.constant 0 : i32
        %dma_wait3A_125 = tpu.memref_slice %arg12[%mul3A_108, %dma_wait3A_124] : memref<10000x128xf32, #tpu.memory_space<vmem_shared>> -> memref<80x128xf32, #tpu.memory_space<vmem_shared>>
        %dma_wait3A_126 = arith.constant 0 : i32
        %dma_wait3A_127 = arith.constant 0 : i32
        %dma_wait3A_128 = tpu.memref_slice %arg9[%dma_wait3A_126, %dma_wait3A_127] : memref<80x128xf32, #tpu.memory_space<vmem>> -> memref<80x128xf32, #tpu.memory_space<vmem>>
        tpu.wait_dma2 semaphore(%run_scoped3A : memref<!tpu.dma_semaphore, #tpu.memory_space<semaphore_mem>>) src(%dma_wait3A_128 : memref<80x128xf32, #tpu.memory_space<vmem>>) dst(%dma_wait3A_125 : memref<80x128xf32, #tpu.memory_space<vmem_shared>>)
        tpu.yield
      }) : () -> ()
    }
    %dma_wait3A = arith.constant 0 : i32
    %dma_wait3A_41 = tpu.memref_slice %arg3[%dma_wait3A] : memref<640000xi32, #tpu.memory_space<hbm>> -> memref<10000xi32, #tpu.memory_space<hbm>>
    %dma_wait3A_42 = arith.constant 0 : i32
    %dma_wait3A_43 = tpu.memref_slice %arg3[%dma_wait3A_42] : memref<640000xi32, #tpu.memory_space<hbm>> -> memref<10000xi32, #tpu.memory_space<hbm>>
    tpu.wait_dma2 semaphore(%arg13 : memref<!tpu.dma_semaphore, #tpu.memory_space<semaphore_mem>>) src(%dma_wait3A_43 : memref<10000xi32, #tpu.memory_space<hbm>>) dst(%arg5 : memref<10000xi32, #tpu.memory_space<vmem>>)
    %dma_start3A_44 = arith.constant 0 : i32
    %dma_start3A_45 = tpu.memref_slice %arg5[%dma_start3A_44] : memref<10000xi32, #tpu.memory_space<vmem>> -> memref<80xi32, #tpu.memory_space<vmem>>
    %dma_start3A_46 = arith.constant 0 : i32
    %dma_start3A_47 = arith.constant 0 : i32
    %dma_start3A_48 = tpu.memref_slice %arg2[%dma_start3A_46, %dma_start3A_47] : memref<10000x128xf32, #tpu.memory_space<hbm>> -> memref<10000x128xf32, #tpu.memory_space<hbm>>
    tpu.enqueue_indirect_dma source(%dma_start3A_48 : memref<10000x128xf32, #tpu.memory_space<hbm>>) target(%arg9 : memref<80x128xf32, #tpu.memory_space<vmem>>) offsets(%dma_start3A_45 : memref<80xi32, #tpu.memory_space<vmem>>) semaphore(%arg14 : memref<!tpu.dma_semaphore, #tpu.memory_space<semaphore_mem>>)
    %add3A_49 = arith.constant 320000 : i32
    %add3A_50 = arith.addi %add3A_49, %mul3A_2 : i32
    %add3A_51 = arith.constant 0 : i32
    %add3A_52 = arith.addi %add3A_50, %add3A_51 : i32
    %dma_start3A_53 = tpu.memref_slice %arg3[%add3A_52] : memref<640000xi32, #tpu.memory_space<hbm>> -> memref<80xi32, #tpu.memory_space<hbm>>
    %dma_start3A_54 = tpu.memref_slice %arg3[%add3A_52] : memref<640000xi32, #tpu.memory_space<hbm>> -> memref<80xi32, #tpu.memory_space<hbm>>
    tpu.enqueue_dma source(%dma_start3A_54 : memref<80xi32, #tpu.memory_space<hbm>>) target(%arg6 : memref<80xi32, #tpu.memory_space<vmem>>) target_semaphore(%arg14 : memref<!tpu.dma_semaphore, #tpu.memory_space<semaphore_mem>>)
    %dma_start3A_55 = arith.constant 80 : i32
    %dma_start3A_56 = tpu.memref_slice %arg5[%dma_start3A_55] : memref<10000xi32, #tpu.memory_space<vmem>> -> memref<80xi32, #tpu.memory_space<vmem>>
    %dma_start3A_57 = arith.constant 0 : i32
    %dma_start3A_58 = arith.constant 0 : i32
    %dma_start3A_59 = tpu.memref_slice %arg2[%dma_start3A_57, %dma_start3A_58] : memref<10000x128xf32, #tpu.memory_space<hbm>> -> memref<10000x128xf32, #tpu.memory_space<hbm>>
    tpu.enqueue_indirect_dma source(%dma_start3A_59 : memref<10000x128xf32, #tpu.memory_space<hbm>>) target(%arg10 : memref<80x128xf32, #tpu.memory_space<vmem>>) offsets(%dma_start3A_56 : memref<80xi32, #tpu.memory_space<vmem>>) semaphore(%arg15 : memref<!tpu.dma_semaphore, #tpu.memory_space<semaphore_mem>>)
    %add3A_60 = arith.constant 320000 : i32
    %add3A_61 = arith.addi %add3A_60, %mul3A_2 : i32
    %add3A_62 = arith.constant 80 : i32
    %add3A_63 = arith.addi %add3A_61, %add3A_62 : i32
    %dma_start3A_64 = tpu.memref_slice %arg3[%add3A_63] : memref<640000xi32, #tpu.memory_space<hbm>> -> memref<80xi32, #tpu.memory_space<hbm>>
    %dma_start3A_65 = tpu.memref_slice %arg3[%add3A_63] : memref<640000xi32, #tpu.memory_space<hbm>> -> memref<80xi32, #tpu.memory_space<hbm>>
    tpu.enqueue_dma source(%dma_start3A_65 : memref<80xi32, #tpu.memory_space<hbm>>) target(%arg7 : memref<80xi32, #tpu.memory_space<vmem>>) target_semaphore(%arg15 : memref<!tpu.dma_semaphore, #tpu.memory_space<semaphore_mem>>)
    %dma_start3A_66 = arith.constant 160 : i32
    %dma_start3A_67 = tpu.memref_slice %arg5[%dma_start3A_66] : memref<10000xi32, #tpu.memory_space<vmem>> -> memref<80xi32, #tpu.memory_space<vmem>>
    %dma_start3A_68 = arith.constant 0 : i32
    %dma_start3A_69 = arith.constant 0 : i32
    %dma_start3A_70 = tpu.memref_slice %arg2[%dma_start3A_68, %dma_start3A_69] : memref<10000x128xf32, #tpu.memory_space<hbm>> -> memref<10000x128xf32, #tpu.memory_space<hbm>>
    tpu.enqueue_indirect_dma source(%dma_start3A_70 : memref<10000x128xf32, #tpu.memory_space<hbm>>) target(%arg11 : memref<80x128xf32, #tpu.memory_space<vmem>>) offsets(%dma_start3A_67 : memref<80xi32, #tpu.memory_space<vmem>>) semaphore(%arg16 : memref<!tpu.dma_semaphore, #tpu.memory_space<semaphore_mem>>)
    %add3A_71 = arith.constant 320000 : i32
    %add3A_72 = arith.addi %add3A_71, %mul3A_2 : i32
    %add3A_73 = arith.constant 160 : i32
    %add3A_74 = arith.addi %add3A_72, %add3A_73 : i32
    %dma_start3A_75 = tpu.memref_slice %arg3[%add3A_74] : memref<640000xi32, #tpu.memory_space<hbm>> -> memref<80xi32, #tpu.memory_space<hbm>>
    %dma_start3A_76 = tpu.memref_slice %arg3[%add3A_74] : memref<640000xi32, #tpu.memory_space<hbm>> -> memref<80xi32, #tpu.memory_space<hbm>>
    tpu.enqueue_dma source(%dma_start3A_76 : memref<80xi32, #tpu.memory_space<hbm>>) target(%arg8 : memref<80xi32, #tpu.memory_space<vmem>>) target_semaphore(%arg16 : memref<!tpu.dma_semaphore, #tpu.memory_space<semaphore_mem>>)
    %barrier3A = arith.constant 0 : index
    tpu.barrier barrier_id(%barrier3A)
    %scan3A_77 = arith.constant 0 : i32
    %scan3A_78 = arith.constant 0 : i32
    %scan3A_79 = arith.constant 42 : i32
    %scan3A_80 = arith.addi %scan3A_78, %scan3A_79 : i32
    %scan3A_81 = arith.constant 1 : i32
    scf.for %scan3A_103 = %scan3A_78 to %scan3A_80 step %scan3A_81  : i32 {
      %mul3A_104 = arith.constant 3 : i32
      %mul3A_105 = arith.muli %mul3A_104, %scan3A_103 : i32
      %add3A_106 = arith.constant 0 : i32
      %add3A_107 = arith.addi %mul3A_105, %add3A_106 : i32
      %add3A_108 = arith.constant 3 : i32
      %add3A_109 = arith.addi %add3A_107, %add3A_108 : i32
      %lt3A = arith.constant 125 : i32
      %lt3A_110 = arith.cmpi slt, %add3A_107, %lt3A : i32
      %convert_element_type3A = arith.extui %lt3A_110 : i1 to i32
      %cond3A = arith.constant 0 : i32
      %cond3A_111 = arith.cmpi ne, %convert_element_type3A, %cond3A : i32
      scf.if %cond3A_111 {
        %dma_wait3A_149 = arith.constant 0 : i32
        %dma_wait3A_150 = arith.constant 0 : i32
        %dma_wait3A_151 = tpu.memref_slice %arg2[%dma_wait3A_149, %dma_wait3A_150] : memref<10000x128xf32, #tpu.memory_space<hbm>> -> memref<80x128xf32, #tpu.memory_space<hbm>>
        %dma_wait3A_152 = arith.constant 0 : i32
        %dma_wait3A_153 = arith.constant 0 : i32
        %dma_wait3A_154 = tpu.memref_slice %arg2[%dma_wait3A_152, %dma_wait3A_153] : memref<10000x128xf32, #tpu.memory_space<hbm>> -> memref<80x128xf32, #tpu.memory_space<hbm>>
        tpu.wait_dma2 semaphore(%arg14 : memref<!tpu.dma_semaphore, #tpu.memory_space<semaphore_mem>>) src(%dma_wait3A_154 : memref<80x128xf32, #tpu.memory_space<hbm>>) dst(%arg9 : memref<80x128xf32, #tpu.memory_space<vmem>>)
        %dma_wait3A_155 = arith.constant 0 : i32
        %dma_wait3A_156 = tpu.memref_slice %arg3[%dma_wait3A_155] : memref<640000xi32, #tpu.memory_space<hbm>> -> memref<80xi32, #tpu.memory_space<hbm>>
        %dma_wait3A_157 = arith.constant 0 : i32
        %dma_wait3A_158 = tpu.memref_slice %arg3[%dma_wait3A_157] : memref<640000xi32, #tpu.memory_space<hbm>> -> memref<80xi32, #tpu.memory_space<hbm>>
        tpu.wait_dma2 semaphore(%arg14 : memref<!tpu.dma_semaphore, #tpu.memory_space<semaphore_mem>>) src(%dma_wait3A_158 : memref<80xi32, #tpu.memory_space<hbm>>) dst(%arg6 : memref<80xi32, #tpu.memory_space<vmem>>)
        %dma_start3A_159 = arith.constant 0 : i32
        %dma_start3A_160 = arith.constant 0 : i32
        %dma_start3A_161 = tpu.memref_slice %arg12[%dma_start3A_159, %dma_start3A_160] : memref<10000x128xf32, #tpu.memory_space<vmem_shared>> -> memref<10000x128xf32, #tpu.memory_space<vmem_shared>>
        tpu.enqueue_indirect_dma source(%arg9 : memref<80x128xf32, #tpu.memory_space<vmem>>) target(%dma_start3A_161 : memref<10000x128xf32, #tpu.memory_space<vmem_shared>>) offsets(%arg6 : memref<80xi32, #tpu.memory_space<vmem>>) semaphore(%arg17 : memref<!tpu.dma_semaphore, #tpu.memory_space<semaphore_mem>>) {add = true}
      } else {
      }
      %lt3A_112 = arith.constant 125 : i32
      %lt3A_113 = arith.cmpi slt, %add3A_109, %lt3A_112 : i32
      %convert_element_type3A_114 = arith.extui %lt3A_113 : i1 to i32
      %cond3A_115 = arith.constant 0 : i32
      %cond3A_116 = arith.cmpi ne, %convert_element_type3A_114, %cond3A_115 : i32
      scf.if %cond3A_116 {
        %dma_wait3A_149 = arith.constant 0 : i32
        %dma_wait3A_150 = arith.constant 0 : i32
        %dma_wait3A_151 = tpu.memref_slice %arg12[%dma_wait3A_149, %dma_wait3A_150] : memref<10000x128xf32, #tpu.memory_space<vmem_shared>> -> memref<10000x128xf32, #tpu.memory_space<vmem_shared>>
        tpu.wait_indirect_dma semaphore(%arg17 : memref<!tpu.dma_semaphore, #tpu.memory_space<semaphore_mem>>) src(%arg9 : memref<80x128xf32, #tpu.memory_space<vmem>>) dst(%dma_wait3A_151 : memref<10000x128xf32, #tpu.memory_space<vmem_shared>>)
        %mul3A_152 = arith.constant 80 : i32
        %mul3A_153 = arith.muli %add3A_109, %mul3A_152 : i32
        %dma_start3A_154 = tpu.memref_slice %arg5[%mul3A_153] : memref<10000xi32, #tpu.memory_space<vmem>> -> memref<80xi32, #tpu.memory_space<vmem>>
        %dma_start3A_155 = arith.constant 0 : i32
        %dma_start3A_156 = arith.constant 0 : i32
        %dma_start3A_157 = tpu.memref_slice %arg2[%dma_start3A_155, %dma_start3A_156] : memref<10000x128xf32, #tpu.memory_space<hbm>> -> memref<10000x128xf32, #tpu.memory_space<hbm>>
        tpu.enqueue_indirect_dma source(%dma_start3A_157 : memref<10000x128xf32, #tpu.memory_space<hbm>>) target(%arg9 : memref<80x128xf32, #tpu.memory_space<vmem>>) offsets(%dma_start3A_154 : memref<80xi32, #tpu.memory_space<vmem>>) semaphore(%arg14 : memref<!tpu.dma_semaphore, #tpu.memory_space<semaphore_mem>>)
        %add3A_158 = arith.constant 320000 : i32
        %add3A_159 = arith.addi %add3A_158, %mul3A_2 : i32
        %mul3A_160 = arith.constant 80 : i32
        %mul3A_161 = arith.muli %add3A_109, %mul3A_160 : i32
        %add3A_162 = arith.addi %add3A_159, %mul3A_161 : i32
        %dma_start3A_163 = tpu.memref_slice %arg3[%add3A_162] : memref<640000xi32, #tpu.memory_space<hbm>> -> memref<80xi32, #tpu.memory_space<hbm>>
        %dma_start3A_164 = tpu.memref_slice %arg3[%add3A_162] : memref<640000xi32, #tpu.memory_space<hbm>> -> memref<80xi32, #tpu.memory_space<hbm>>
        tpu.enqueue_dma source(%dma_start3A_164 : memref<80xi32, #tpu.memory_space<hbm>>) target(%arg6 : memref<80xi32, #tpu.memory_space<vmem>>) target_semaphore(%arg14 : memref<!tpu.dma_semaphore, #tpu.memory_space<semaphore_mem>>)
      } else {
      }
      %mul3A_117 = arith.constant 3 : i32
      %mul3A_118 = arith.muli %mul3A_117, %scan3A_103 : i32
      %add3A_119 = arith.constant 1 : i32
      %add3A_120 = arith.addi %mul3A_118, %add3A_119 : i32
      %add3A_121 = arith.constant 3 : i32
      %add3A_122 = arith.addi %add3A_120, %add3A_121 : i32
      %lt3A_123 = arith.constant 125 : i32
      %lt3A_124 = arith.cmpi slt, %add3A_120, %lt3A_123 : i32
      %convert_element_type3A_125 = arith.extui %lt3A_124 : i1 to i32
      %cond3A_126 = arith.constant 0 : i32
      %cond3A_127 = arith.cmpi ne, %convert_element_type3A_125, %cond3A_126 : i32
      scf.if %cond3A_127 {
        %dma_wait3A_149 = arith.constant 0 : i32
        %dma_wait3A_150 = arith.constant 0 : i32
        %dma_wait3A_151 = tpu.memref_slice %arg2[%dma_wait3A_149, %dma_wait3A_150] : memref<10000x128xf32, #tpu.memory_space<hbm>> -> memref<80x128xf32, #tpu.memory_space<hbm>>
        %dma_wait3A_152 = arith.constant 0 : i32
        %dma_wait3A_153 = arith.constant 0 : i32
        %dma_wait3A_154 = tpu.memref_slice %arg2[%dma_wait3A_152, %dma_wait3A_153] : memref<10000x128xf32, #tpu.memory_space<hbm>> -> memref<80x128xf32, #tpu.memory_space<hbm>>
        tpu.wait_dma2 semaphore(%arg15 : memref<!tpu.dma_semaphore, #tpu.memory_space<semaphore_mem>>) src(%dma_wait3A_154 : memref<80x128xf32, #tpu.memory_space<hbm>>) dst(%arg10 : memref<80x128xf32, #tpu.memory_space<vmem>>)
        %dma_wait3A_155 = arith.constant 0 : i32
        %dma_wait3A_156 = tpu.memref_slice %arg3[%dma_wait3A_155] : memref<640000xi32, #tpu.memory_space<hbm>> -> memref<80xi32, #tpu.memory_space<hbm>>
        %dma_wait3A_157 = arith.constant 0 : i32
        %dma_wait3A_158 = tpu.memref_slice %arg3[%dma_wait3A_157] : memref<640000xi32, #tpu.memory_space<hbm>> -> memref<80xi32, #tpu.memory_space<hbm>>
        tpu.wait_dma2 semaphore(%arg15 : memref<!tpu.dma_semaphore, #tpu.memory_space<semaphore_mem>>) src(%dma_wait3A_158 : memref<80xi32, #tpu.memory_space<hbm>>) dst(%arg7 : memref<80xi32, #tpu.memory_space<vmem>>)
        %dma_start3A_159 = arith.constant 0 : i32
        %dma_start3A_160 = arith.constant 0 : i32
        %dma_start3A_161 = tpu.memref_slice %arg12[%dma_start3A_159, %dma_start3A_160] : memref<10000x128xf32, #tpu.memory_space<vmem_shared>> -> memref<10000x128xf32, #tpu.memory_space<vmem_shared>>
        tpu.enqueue_indirect_dma source(%arg10 : memref<80x128xf32, #tpu.memory_space<vmem>>) target(%dma_start3A_161 : memref<10000x128xf32, #tpu.memory_space<vmem_shared>>) offsets(%arg7 : memref<80xi32, #tpu.memory_space<vmem>>) semaphore(%arg18 : memref<!tpu.dma_semaphore, #tpu.memory_space<semaphore_mem>>) {add = true}
      } else {
      }
      %lt3A_128 = arith.constant 125 : i32
      %lt3A_129 = arith.cmpi slt, %add3A_122, %lt3A_128 : i32
      %convert_element_type3A_130 = arith.extui %lt3A_129 : i1 to i32
      %cond3A_131 = arith.constant 0 : i32
      %cond3A_132 = arith.cmpi ne, %convert_element_type3A_130, %cond3A_131 : i32
      scf.if %cond3A_132 {
        %dma_wait3A_149 = arith.constant 0 : i32
        %dma_wait3A_150 = arith.constant 0 : i32
        %dma_wait3A_151 = tpu.memref_slice %arg12[%dma_wait3A_149, %dma_wait3A_150] : memref<10000x128xf32, #tpu.memory_space<vmem_shared>> -> memref<10000x128xf32, #tpu.memory_space<vmem_shared>>
        tpu.wait_indirect_dma semaphore(%arg18 : memref<!tpu.dma_semaphore, #tpu.memory_space<semaphore_mem>>) src(%arg10 : memref<80x128xf32, #tpu.memory_space<vmem>>) dst(%dma_wait3A_151 : memref<10000x128xf32, #tpu.memory_space<vmem_shared>>)
        %mul3A_152 = arith.constant 80 : i32
        %mul3A_153 = arith.muli %add3A_122, %mul3A_152 : i32
        %dma_start3A_154 = tpu.memref_slice %arg5[%mul3A_153] : memref<10000xi32, #tpu.memory_space<vmem>> -> memref<80xi32, #tpu.memory_space<vmem>>
        %dma_start3A_155 = arith.constant 0 : i32
        %dma_start3A_156 = arith.constant 0 : i32
        %dma_start3A_157 = tpu.memref_slice %arg2[%dma_start3A_155, %dma_start3A_156] : memref<10000x128xf32, #tpu.memory_space<hbm>> -> memref<10000x128xf32, #tpu.memory_space<hbm>>
        tpu.enqueue_indirect_dma source(%dma_start3A_157 : memref<10000x128xf32, #tpu.memory_space<hbm>>) target(%arg10 : memref<80x128xf32, #tpu.memory_space<vmem>>) offsets(%dma_start3A_154 : memref<80xi32, #tpu.memory_space<vmem>>) semaphore(%arg15 : memref<!tpu.dma_semaphore, #tpu.memory_space<semaphore_mem>>)
        %add3A_158 = arith.constant 320000 : i32
        %add3A_159 = arith.addi %add3A_158, %mul3A_2 : i32
        %mul3A_160 = arith.constant 80 : i32
        %mul3A_161 = arith.muli %add3A_122, %mul3A_160 : i32
        %add3A_162 = arith.addi %add3A_159, %mul3A_161 : i32
        %dma_start3A_163 = tpu.memref_slice %arg3[%add3A_162] : memref<640000xi32, #tpu.memory_space<hbm>> -> memref<80xi32, #tpu.memory_space<hbm>>
        %dma_start3A_164 = tpu.memref_slice %arg3[%add3A_162] : memref<640000xi32, #tpu.memory_space<hbm>> -> memref<80xi32, #tpu.memory_space<hbm>>
        tpu.enqueue_dma source(%dma_start3A_164 : memref<80xi32, #tpu.memory_space<hbm>>) target(%arg7 : memref<80xi32, #tpu.memory_space<vmem>>) target_semaphore(%arg15 : memref<!tpu.dma_semaphore, #tpu.memory_space<semaphore_mem>>)
      } else {
      }
      %mul3A_133 = arith.constant 3 : i32
      %mul3A_134 = arith.muli %mul3A_133, %scan3A_103 : i32
      %add3A_135 = arith.constant 2 : i32
      %add3A_136 = arith.addi %mul3A_134, %add3A_135 : i32
      %add3A_137 = arith.constant 3 : i32
      %add3A_138 = arith.addi %add3A_136, %add3A_137 : i32
      %lt3A_139 = arith.constant 125 : i32
      %lt3A_140 = arith.cmpi slt, %add3A_136, %lt3A_139 : i32
      %convert_element_type3A_141 = arith.extui %lt3A_140 : i1 to i32
      %cond3A_142 = arith.constant 0 : i32
      %cond3A_143 = arith.cmpi ne, %convert_element_type3A_141, %cond3A_142 : i32
      scf.if %cond3A_143 {
        %dma_wait3A_149 = arith.constant 0 : i32
        %dma_wait3A_150 = arith.constant 0 : i32
        %dma_wait3A_151 = tpu.memref_slice %arg2[%dma_wait3A_149, %dma_wait3A_150] : memref<10000x128xf32, #tpu.memory_space<hbm>> -> memref<80x128xf32, #tpu.memory_space<hbm>>
        %dma_wait3A_152 = arith.constant 0 : i32
        %dma_wait3A_153 = arith.constant 0 : i32
        %dma_wait3A_154 = tpu.memref_slice %arg2[%dma_wait3A_152, %dma_wait3A_153] : memref<10000x128xf32, #tpu.memory_space<hbm>> -> memref<80x128xf32, #tpu.memory_space<hbm>>
        tpu.wait_dma2 semaphore(%arg16 : memref<!tpu.dma_semaphore, #tpu.memory_space<semaphore_mem>>) src(%dma_wait3A_154 : memref<80x128xf32, #tpu.memory_space<hbm>>) dst(%arg11 : memref<80x128xf32, #tpu.memory_space<vmem>>)
        %dma_wait3A_155 = arith.constant 0 : i32
        %dma_wait3A_156 = tpu.memref_slice %arg3[%dma_wait3A_155] : memref<640000xi32, #tpu.memory_space<hbm>> -> memref<80xi32, #tpu.memory_space<hbm>>
        %dma_wait3A_157 = arith.constant 0 : i32
        %dma_wait3A_158 = tpu.memref_slice %arg3[%dma_wait3A_157] : memref<640000xi32, #tpu.memory_space<hbm>> -> memref<80xi32, #tpu.memory_space<hbm>>
        tpu.wait_dma2 semaphore(%arg16 : memref<!tpu.dma_semaphore, #tpu.memory_space<semaphore_mem>>) src(%dma_wait3A_158 : memref<80xi32, #tpu.memory_space<hbm>>) dst(%arg8 : memref<80xi32, #tpu.memory_space<vmem>>)
        %dma_start3A_159 = arith.constant 0 : i32
        %dma_start3A_160 = arith.constant 0 : i32
        %dma_start3A_161 = tpu.memref_slice %arg12[%dma_start3A_159, %dma_start3A_160] : memref<10000x128xf32, #tpu.memory_space<vmem_shared>> -> memref<10000x128xf32, #tpu.memory_space<vmem_shared>>
        tpu.enqueue_indirect_dma source(%arg11 : memref<80x128xf32, #tpu.memory_space<vmem>>) target(%dma_start3A_161 : memref<10000x128xf32, #tpu.memory_space<vmem_shared>>) offsets(%arg8 : memref<80xi32, #tpu.memory_space<vmem>>) semaphore(%arg19 : memref<!tpu.dma_semaphore, #tpu.memory_space<semaphore_mem>>) {add = true}
      } else {
      }
      %lt3A_144 = arith.constant 125 : i32
      %lt3A_145 = arith.cmpi slt, %add3A_138, %lt3A_144 : i32
      %convert_element_type3A_146 = arith.extui %lt3A_145 : i1 to i32
      %cond3A_147 = arith.constant 0 : i32
      %cond3A_148 = arith.cmpi ne, %convert_element_type3A_146, %cond3A_147 : i32
      scf.if %cond3A_148 {
        %dma_wait3A_149 = arith.constant 0 : i32
        %dma_wait3A_150 = arith.constant 0 : i32
        %dma_wait3A_151 = tpu.memref_slice %arg12[%dma_wait3A_149, %dma_wait3A_150] : memref<10000x128xf32, #tpu.memory_space<vmem_shared>> -> memref<10000x128xf32, #tpu.memory_space<vmem_shared>>
        tpu.wait_indirect_dma semaphore(%arg19 : memref<!tpu.dma_semaphore, #tpu.memory_space<semaphore_mem>>) src(%arg11 : memref<80x128xf32, #tpu.memory_space<vmem>>) dst(%dma_wait3A_151 : memref<10000x128xf32, #tpu.memory_space<vmem_shared>>)
        %mul3A_152 = arith.constant 80 : i32
        %mul3A_153 = arith.muli %add3A_138, %mul3A_152 : i32
        %dma_start3A_154 = tpu.memref_slice %arg5[%mul3A_153] : memref<10000xi32, #tpu.memory_space<vmem>> -> memref<80xi32, #tpu.memory_space<vmem>>
        %dma_start3A_155 = arith.constant 0 : i32
        %dma_start3A_156 = arith.constant 0 : i32
        %dma_start3A_157 = tpu.memref_slice %arg2[%dma_start3A_155, %dma_start3A_156] : memref<10000x128xf32, #tpu.memory_space<hbm>> -> memref<10000x128xf32, #tpu.memory_space<hbm>>
        tpu.enqueue_indirect_dma source(%dma_start3A_157 : memref<10000x128xf32, #tpu.memory_space<hbm>>) target(%arg11 : memref<80x128xf32, #tpu.memory_space<vmem>>) offsets(%dma_start3A_154 : memref<80xi32, #tpu.memory_space<vmem>>) semaphore(%arg16 : memref<!tpu.dma_semaphore, #tpu.memory_space<semaphore_mem>>)
        %add3A_158 = arith.constant 320000 : i32
        %add3A_159 = arith.addi %add3A_158, %mul3A_2 : i32
        %mul3A_160 = arith.constant 80 : i32
        %mul3A_161 = arith.muli %add3A_138, %mul3A_160 : i32
        %add3A_162 = arith.addi %add3A_159, %mul3A_161 : i32
        %dma_start3A_163 = tpu.memref_slice %arg3[%add3A_162] : memref<640000xi32, #tpu.memory_space<hbm>> -> memref<80xi32, #tpu.memory_space<hbm>>
        %dma_start3A_164 = tpu.memref_slice %arg3[%add3A_162] : memref<640000xi32, #tpu.memory_space<hbm>> -> memref<80xi32, #tpu.memory_space<hbm>>
        tpu.enqueue_dma source(%dma_start3A_164 : memref<80xi32, #tpu.memory_space<hbm>>) target(%arg8 : memref<80xi32, #tpu.memory_space<vmem>>) target_semaphore(%arg16 : memref<!tpu.dma_semaphore, #tpu.memory_space<semaphore_mem>>)
      } else {
      }
    }
    %scan3A_82 = arith.constant 42 : i32
    %dma_wait3A_83 = arith.constant 0 : i32
    %dma_wait3A_84 = arith.constant 0 : i32
    %dma_wait3A_85 = tpu.memref_slice %arg12[%dma_wait3A_83, %dma_wait3A_84] : memref<10000x128xf32, #tpu.memory_space<vmem_shared>> -> memref<10000x128xf32, #tpu.memory_space<vmem_shared>>
    tpu.wait_indirect_dma semaphore(%arg17 : memref<!tpu.dma_semaphore, #tpu.memory_space<semaphore_mem>>) src(%arg9 : memref<80x128xf32, #tpu.memory_space<vmem>>) dst(%dma_wait3A_85 : memref<10000x128xf32, #tpu.memory_space<vmem_shared>>)
    %dma_wait3A_86 = arith.constant 0 : i32
    %dma_wait3A_87 = arith.constant 0 : i32
    %dma_wait3A_88 = tpu.memref_slice %arg12[%dma_wait3A_86, %dma_wait3A_87] : memref<10000x128xf32, #tpu.memory_space<vmem_shared>> -> memref<10000x128xf32, #tpu.memory_space<vmem_shared>>
    tpu.wait_indirect_dma semaphore(%arg18 : memref<!tpu.dma_semaphore, #tpu.memory_space<semaphore_mem>>) src(%arg10 : memref<80x128xf32, #tpu.memory_space<vmem>>) dst(%dma_wait3A_88 : memref<10000x128xf32, #tpu.memory_space<vmem_shared>>)
    %dma_wait3A_89 = arith.constant 0 : i32
    %dma_wait3A_90 = arith.constant 0 : i32
    %dma_wait3A_91 = tpu.memref_slice %arg12[%dma_wait3A_89, %dma_wait3A_90] : memref<10000x128xf32, #tpu.memory_space<vmem_shared>> -> memref<10000x128xf32, #tpu.memory_space<vmem_shared>>
    tpu.wait_indirect_dma semaphore(%arg19 : memref<!tpu.dma_semaphore, #tpu.memory_space<semaphore_mem>>) src(%arg11 : memref<80x128xf32, #tpu.memory_space<vmem>>) dst(%dma_wait3A_91 : memref<10000x128xf32, #tpu.memory_space<vmem_shared>>)
    %barrier3A_92 = arith.constant 0 : index
    tpu.barrier barrier_id(%barrier3A_92)
    %while3A_93 = arith.constant 0 : i32
    %while3A_94 = arith.constant 0 : i32
    %while3A_95 = arith.subi %select_n3A, %while3A_94 : i32
    %while3A_96 = arith.addi %while3A_94, %while3A_95 : i32
    %while3A_97 = arith.constant 1 : i32
    %while3A_98 = arith.divsi %while3A_95, %while3A_97 : i32
    %while3A_99 = arith.muli %while3A_98, %while3A_97 : i32
    %while3A_100 = arith.addi %while3A_94, %while3A_99 : i32
    %while3A_101 = arith.constant 1 : i32
    scf.for %while3A_103 = %while3A_94 to %while3A_100 step %while3A_101  : i32 {
      %mul3A_104 = arith.constant 16 : i32
      %mul3A_105 = arith.muli %while3A_103, %mul3A_104 : i32
      %add3A_106 = arith.addi %arg1, %mul3A_105 : i32
      %mul3A_107 = arith.constant 80 : i32
      %mul3A_108 = arith.muli %add3A_106, %mul3A_107 : i32
      "tpu.region"() ({
        %run_scoped3A = tpu.sem_alloc : memref<!tpu.dma_semaphore, #tpu.memory_space<semaphore_mem>>
        %dma_start3A_109 = arith.constant 0 : i32
        %dma_start3A_110 = tpu.memref_slice %arg4[%arg0, %mul3A_108, %dma_start3A_109] : memref<2x10000x128xf32, #tpu.memory_space<hbm>> -> memref<1x80x128xf32, #tpu.memory_space<hbm>>
        %dma_start3A_111 = tpu.memref_squeeze %dma_start3A_110 : memref<1x80x128xf32, #tpu.memory_space<hbm>> -> memref<80x128xf32, #tpu.memory_space<hbm>>
        %dma_start3A_112 = arith.constant 0 : i32
        %dma_start3A_113 = tpu.memref_slice %arg12[%mul3A_108, %dma_start3A_112] : memref<10000x128xf32, #tpu.memory_space<vmem_shared>> -> memref<80x128xf32, #tpu.memory_space<vmem_shared>>
        tpu.enqueue_dma source(%dma_start3A_113 : memref<80x128xf32, #tpu.memory_space<vmem_shared>>) target(%dma_start3A_111 : memref<80x128xf32, #tpu.memory_space<hbm>>) target_semaphore(%run_scoped3A : memref<!tpu.dma_semaphore, #tpu.memory_space<semaphore_mem>>)
        %dma_wait3A_114 = arith.constant 0 : i32
        %dma_wait3A_115 = tpu.memref_slice %arg4[%arg0, %mul3A_108, %dma_wait3A_114] : memref<2x10000x128xf32, #tpu.memory_space<hbm>> -> memref<1x80x128xf32, #tpu.memory_space<hbm>>
        %dma_wait3A_116 = tpu.memref_squeeze %dma_wait3A_115 : memref<1x80x128xf32, #tpu.memory_space<hbm>> -> memref<80x128xf32, #tpu.memory_space<hbm>>
        %dma_wait3A_117 = arith.constant 0 : i32
        %dma_wait3A_118 = tpu.memref_slice %arg12[%mul3A_108, %dma_wait3A_117] : memref<10000x128xf32, #tpu.memory_space<vmem_shared>> -> memref<80x128xf32, #tpu.memory_space<vmem_shared>>
        tpu.wait_dma2 semaphore(%run_scoped3A : memref<!tpu.dma_semaphore, #tpu.memory_space<semaphore_mem>>) src(%dma_wait3A_118 : memref<80x128xf32, #tpu.memory_space<vmem_shared>>) dst(%dma_wait3A_116 : memref<80x128xf32, #tpu.memory_space<hbm>>)
        tpu.yield
      }) : () -> ()
    }
    %while3A_102 = arith.constant 1 : i32
    scf.for %while3A_103 = %while3A_100 to %while3A_96 step %while3A_102  : i32 {
      %mul3A_104 = arith.constant 16 : i32
      %mul3A_105 = arith.muli %while3A_103, %mul3A_104 : i32
      %add3A_106 = arith.addi %arg1, %mul3A_105 : i32
      %mul3A_107 = arith.constant 80 : i32
      %mul3A_108 = arith.muli %add3A_106, %mul3A_107 : i32
      "tpu.region"() ({
        %run_scoped3A = tpu.sem_alloc : memref<!tpu.dma_semaphore, #tpu.memory_space<semaphore_mem>>
        %dma_start3A_109 = arith.constant 0 : i32
        %dma_start3A_110 = tpu.memref_slice %arg4[%arg0, %mul3A_108, %dma_start3A_109] : memref<2x10000x128xf32, #tpu.memory_space<hbm>> -> memref<1x80x128xf32, #tpu.memory_space<hbm>>
        %dma_start3A_111 = tpu.memref_squeeze %dma_start3A_110 : memref<1x80x128xf32, #tpu.memory_space<hbm>> -> memref<80x128xf32, #tpu.memory_space<hbm>>
        %dma_start3A_112 = arith.constant 0 : i32
        %dma_start3A_113 = tpu.memref_slice %arg12[%mul3A_108, %dma_start3A_112] : memref<10000x128xf32, #tpu.memory_space<vmem_shared>> -> memref<80x128xf32, #tpu.memory_space<vmem_shared>>
        tpu.enqueue_dma source(%dma_start3A_113 : memref<80x128xf32, #tpu.memory_space<vmem_shared>>) target(%dma_start3A_111 : memref<80x128xf32, #tpu.memory_space<hbm>>) target_semaphore(%run_scoped3A : memref<!tpu.dma_semaphore, #tpu.memory_space<semaphore_mem>>)
        %dma_wait3A_114 = arith.constant 0 : i32
        %dma_wait3A_115 = tpu.memref_slice %arg4[%arg0, %mul3A_108, %dma_wait3A_114] : memref<2x10000x128xf32, #tpu.memory_space<hbm>> -> memref<1x80x128xf32, #tpu.memory_space<hbm>>
        %dma_wait3A_116 = tpu.memref_squeeze %dma_wait3A_115 : memref<1x80x128xf32, #tpu.memory_space<hbm>> -> memref<80x128xf32, #tpu.memory_space<hbm>>
        %dma_wait3A_117 = arith.constant 0 : i32
        %dma_wait3A_118 = tpu.memref_slice %arg12[%mul3A_108, %dma_wait3A_117] : memref<10000x128xf32, #tpu.memory_space<vmem_shared>> -> memref<80x128xf32, #tpu.memory_space<vmem_shared>>
        tpu.wait_dma2 semaphore(%run_scoped3A : memref<!tpu.dma_semaphore, #tpu.memory_space<semaphore_mem>>) src(%dma_wait3A_118 : memref<80x128xf32, #tpu.memory_space<vmem_shared>>) dst(%dma_wait3A_116 : memref<80x128xf32, #tpu.memory_space<hbm>>)
        tpu.yield
      }) : () -> ()
    }
    return
  }
}

module attributes {stable_mosaic.version = 14 : i64} {
  func.func @_final_mlp_body(%arg0: i32, %arg1: memref<5000x128xf32, #tpu.memory_space<vmem>>, %arg2: memref<2x5000x128xf32, #tpu.memory_space<vmem>>, %arg3: memref<128x128xf32, #tpu.memory_space<vmem>>, %arg4: memref<1x128xf32, #tpu.memory_space<vmem>>, %arg5: memref<1x128xf32, #tpu.memory_space<vmem>>, %arg6: memref<1x128xf32, #tpu.memory_space<vmem>>, %arg7: memref<128x128xf32, #tpu.memory_space<vmem>>, %arg8: memref<1x128xf32, #tpu.memory_space<vmem>>, %arg9: memref<128x128xf32, #tpu.memory_space<vmem>>, %arg10: memref<1x128xf32, #tpu.memory_space<vmem>>, %arg11: memref<128x64xf32, #tpu.memory_space<vmem>>, %arg12: memref<1x64xf32, #tpu.memory_space<vmem>>, %arg13: memref<5000x64xf32, #tpu.memory_space<vmem>>) attributes {dimension_semantics = [#tpu.dimension_semantics<arbitrary>], iteration_bounds = array<i64: 2>, scalar_prefetch = 0 : i64, scratch_operands = 0 : i64, tpu.core_type = #tpu.core_type<tc>, window_params = [{transform_indices = @transform_0, window_bounds = array<i64: 5000, 128>}, {transform_indices = @transform_1, window_bounds = array<i64: 2, 5000, 128>}, {pipeline_mode = #tpu.pipeline_mode<synchronous>, transform_indices = @transform_2, window_bounds = array<i64: 128, 128>}, {pipeline_mode = #tpu.pipeline_mode<synchronous>, transform_indices = @transform_3, window_bounds = array<i64: 1, 128>}, {pipeline_mode = #tpu.pipeline_mode<synchronous>, transform_indices = @transform_4, window_bounds = array<i64: 1, 128>}, {pipeline_mode = #tpu.pipeline_mode<synchronous>, transform_indices = @transform_5, window_bounds = array<i64: 1, 128>}, {pipeline_mode = #tpu.pipeline_mode<synchronous>, transform_indices = @transform_6, window_bounds = array<i64: 128, 128>}, {pipeline_mode = #tpu.pipeline_mode<synchronous>, transform_indices = @transform_7, window_bounds = array<i64: 1, 128>}, {pipeline_mode = #tpu.pipeline_mode<synchronous>, transform_indices = @transform_8, window_bounds = array<i64: 128, 128>}, {pipeline_mode = #tpu.pipeline_mode<synchronous>, transform_indices = @transform_9, window_bounds = array<i64: 1, 128>}, {pipeline_mode = #tpu.pipeline_mode<synchronous>, transform_indices = @transform_10, window_bounds = array<i64: 128, 64>}, {pipeline_mode = #tpu.pipeline_mode<synchronous>, transform_indices = @transform_11, window_bounds = array<i64: 1, 64>}, {transform_indices = @transform_12, window_bounds = array<i64: 5000, 64>}]} {
    %get3A = arith.constant 0 : index
    %get3A_0 = arith.constant 0 : index
    %get3A_1 = vector.load %arg1[%get3A, %get3A_0] : memref<5000x128xf32, #tpu.memory_space<vmem>>, vector<5000x128xf32>
    %get3A_2 = arith.constant 0 : index
    %get3A_3 = arith.constant 0 : index
    %get3A_4 = arith.constant 0 : index
    %get3A_5 = vector.load %arg2[%get3A_2, %get3A_3, %get3A_4] : memref<2x5000x128xf32, #tpu.memory_space<vmem>>, vector<1x5000x128xf32>
    %get3A_6 = vector.shape_cast %get3A_5 : vector<1x5000x128xf32> to vector<5000x128xf32>
    %add3A = arith.addf %get3A_1, %get3A_6 : vector<5000x128xf32>
    %get3A_7 = arith.constant 1 : index
    %get3A_8 = arith.constant 0 : index
    %get3A_9 = arith.constant 0 : index
    %get3A_10 = vector.load %arg2[%get3A_7, %get3A_8, %get3A_9] : memref<2x5000x128xf32, #tpu.memory_space<vmem>>, vector<1x5000x128xf32>
    %get3A_11 = vector.shape_cast %get3A_10 : vector<1x5000x128xf32> to vector<5000x128xf32>
    %add3A_12 = arith.addf %add3A, %get3A_11 : vector<5000x128xf32>
    %get3A_13 = arith.constant 0 : index
    %get3A_14 = arith.constant 0 : index
    %get3A_15 = vector.load %arg3[%get3A_13, %get3A_14] : memref<128x128xf32, #tpu.memory_space<vmem>>, vector<128x128xf32>
    %dot_general3A = arith.constant dense<0.000000e+00> : vector<5000x128xf32>
    %dot_general3A_16 = tpu.matmul %add3A_12, %get3A_15, %dot_general3A {dimension_numbers = #tpu.dot_dimension_numbers<[1], [0], [0], [1], [0, 0, 1, 1], [], []>, transpose_lhs_hint = false} : vector<5000x128xf32>, vector<128x128xf32>, vector<5000x128xf32> -> vector<5000x128xf32>
    %get3A_17 = arith.constant 0 : index
    %get3A_18 = arith.constant 0 : index
    %get3A_19 = vector.load %arg4[%get3A_17, %get3A_18] : memref<1x128xf32, #tpu.memory_space<vmem>>, vector<1x128xf32>
    %add3A_20 = vector.broadcast %get3A_19 : vector<1x128xf32> to vector<5000x128xf32>
    %add3A_21 = arith.addf %dot_general3A_16, %add3A_20 : vector<5000x128xf32>
    %get3A_22 = arith.constant 0 : index
    %get3A_23 = arith.constant 0 : index
    %get3A_24 = vector.load %arg5[%get3A_22, %get3A_23] : memref<1x128xf32, #tpu.memory_space<vmem>>, vector<1x128xf32>
    %mul3A = vector.broadcast %get3A_24 : vector<1x128xf32> to vector<5000x128xf32>
    %mul3A_25 = arith.mulf %add3A_21, %mul3A : vector<5000x128xf32>
    %get3A_26 = arith.constant 0 : index
    %get3A_27 = arith.constant 0 : index
    %get3A_28 = vector.load %arg6[%get3A_26, %get3A_27] : memref<1x128xf32, #tpu.memory_space<vmem>>, vector<1x128xf32>
    %add3A_29 = vector.broadcast %get3A_28 : vector<1x128xf32> to vector<5000x128xf32>
    %add3A_30 = arith.addf %mul3A_25, %add3A_29 : vector<5000x128xf32>
    %max3A = arith.constant 0.000000e+00 : f32
    %max3A_31 = vector.broadcast %max3A : f32 to vector<5000x128xf32>
    %max3A_32 = arith.maximumf %add3A_30, %max3A_31 : vector<5000x128xf32>
    %get3A_33 = arith.constant 0 : index
    %get3A_34 = arith.constant 0 : index
    %get3A_35 = vector.load %arg7[%get3A_33, %get3A_34] : memref<128x128xf32, #tpu.memory_space<vmem>>, vector<128x128xf32>
    %dot_general3A_36 = arith.constant dense<0.000000e+00> : vector<5000x128xf32>
    %dot_general3A_37 = tpu.matmul %max3A_32, %get3A_35, %dot_general3A_36 {dimension_numbers = #tpu.dot_dimension_numbers<[1], [0], [0], [1], [0, 0, 1, 1], [], []>, transpose_lhs_hint = false} : vector<5000x128xf32>, vector<128x128xf32>, vector<5000x128xf32> -> vector<5000x128xf32>
    %get3A_38 = arith.constant 0 : index
    %get3A_39 = arith.constant 0 : index
    %get3A_40 = vector.load %arg8[%get3A_38, %get3A_39] : memref<1x128xf32, #tpu.memory_space<vmem>>, vector<1x128xf32>
    %add3A_41 = vector.broadcast %get3A_40 : vector<1x128xf32> to vector<5000x128xf32>
    %add3A_42 = arith.addf %dot_general3A_37, %add3A_41 : vector<5000x128xf32>
    %max3A_43 = arith.constant 0.000000e+00 : f32
    %max3A_44 = vector.broadcast %max3A_43 : f32 to vector<5000x128xf32>
    %max3A_45 = arith.maximumf %add3A_42, %max3A_44 : vector<5000x128xf32>
    %get3A_46 = arith.constant 0 : index
    %get3A_47 = arith.constant 0 : index
    %get3A_48 = vector.load %arg9[%get3A_46, %get3A_47] : memref<128x128xf32, #tpu.memory_space<vmem>>, vector<128x128xf32>
    %dot_general3A_49 = arith.constant dense<0.000000e+00> : vector<5000x128xf32>
    %dot_general3A_50 = tpu.matmul %max3A_45, %get3A_48, %dot_general3A_49 {dimension_numbers = #tpu.dot_dimension_numbers<[1], [0], [0], [1], [0, 0, 1, 1], [], []>, transpose_lhs_hint = false} : vector<5000x128xf32>, vector<128x128xf32>, vector<5000x128xf32> -> vector<5000x128xf32>
    %get3A_51 = arith.constant 0 : index
    %get3A_52 = arith.constant 0 : index
    %get3A_53 = vector.load %arg10[%get3A_51, %get3A_52] : memref<1x128xf32, #tpu.memory_space<vmem>>, vector<1x128xf32>
    %add3A_54 = vector.broadcast %get3A_53 : vector<1x128xf32> to vector<5000x128xf32>
    %add3A_55 = arith.addf %dot_general3A_50, %add3A_54 : vector<5000x128xf32>
    %max3A_56 = arith.constant 0.000000e+00 : f32
    %max3A_57 = vector.broadcast %max3A_56 : f32 to vector<5000x128xf32>
    %max3A_58 = arith.maximumf %add3A_55, %max3A_57 : vector<5000x128xf32>
    %get3A_59 = arith.constant 0 : index
    %get3A_60 = arith.constant 0 : index
    %get3A_61 = vector.load %arg11[%get3A_59, %get3A_60] : memref<128x64xf32, #tpu.memory_space<vmem>>, vector<128x64xf32>
    %dot_general3A_62 = arith.constant dense<0.000000e+00> : vector<5000x64xf32>
    %dot_general3A_63 = tpu.matmul %max3A_58, %get3A_61, %dot_general3A_62 {dimension_numbers = #tpu.dot_dimension_numbers<[1], [0], [0], [1], [0, 0, 1, 1], [], []>, transpose_lhs_hint = false} : vector<5000x128xf32>, vector<128x64xf32>, vector<5000x64xf32> -> vector<5000x64xf32>
    %get3A_64 = arith.constant 0 : index
    %get3A_65 = arith.constant 0 : index
    %get3A_66 = vector.load %arg12[%get3A_64, %get3A_65] : memref<1x64xf32, #tpu.memory_space<vmem>>, vector<1x64xf32>
    %add3A_67 = vector.broadcast %get3A_66 : vector<1x64xf32> to vector<5000x64xf32>
    %add3A_68 = arith.addf %dot_general3A_63, %add3A_67 : vector<5000x64xf32>
    %swap3A = arith.constant 0 : index
    %swap3A_69 = arith.constant 0 : index
    %swap3A_70 = vector.load %arg13[%swap3A, %swap3A_69] : memref<5000x64xf32, #tpu.memory_space<vmem>>, vector<5000x64xf32>
    tpu.vector_store %arg13[%swap3A, %swap3A_69], %add3A_68 {strides = array<i32>} : memref<5000x64xf32, #tpu.memory_space<vmem>>, vector<5000x64xf32>,
    return
  }
  func.func @transform_0(%arg0: i32) -> (i32, i32) {
    %c0_i32 = arith.constant 0 : i32
    %c0_i32_0 = arith.constant 0 : i32
    return %arg0, %c0_i32 : i32, i32
  }
  func.func @transform_1(%arg0: i32) -> (i32, i32, i32) {
    %c0_i32 = arith.constant 0 : i32
    %c0_i32_0 = arith.constant 0 : i32
    %c0_i32_1 = arith.constant 0 : i32
    return %c0_i32, %arg0, %c0_i32_0 : i32, i32, i32
  }
  func.func @transform_2(%arg0: i32) -> (i32, i32) {
    %c0_i32 = arith.constant 0 : i32
    %c0_i32_0 = arith.constant 0 : i32
    %c0_i32_1 = arith.constant 0 : i32
    return %c0_i32, %c0_i32_0 : i32, i32
  }
  func.func @transform_3(%arg0: i32) -> (i32, i32) {
    %c0_i32 = arith.constant 0 : i32
    %c0_i32_0 = arith.constant 0 : i32
    %c0_i32_1 = arith.constant 0 : i32
    return %c0_i32, %c0_i32_0 : i32, i32
  }
  func.func @transform_4(%arg0: i32) -> (i32, i32) {
    %c0_i32 = arith.constant 0 : i32
    %c0_i32_0 = arith.constant 0 : i32
    %c0_i32_1 = arith.constant 0 : i32
    return %c0_i32, %c0_i32_0 : i32, i32
  }
  func.func @transform_5(%arg0: i32) -> (i32, i32) {
    %c0_i32 = arith.constant 0 : i32
    %c0_i32_0 = arith.constant 0 : i32
    %c0_i32_1 = arith.constant 0 : i32
    return %c0_i32, %c0_i32_0 : i32, i32
  }
  func.func @transform_6(%arg0: i32) -> (i32, i32) {
    %c0_i32 = arith.constant 0 : i32
    %c0_i32_0 = arith.constant 0 : i32
    %c0_i32_1 = arith.constant 0 : i32
    return %c0_i32, %c0_i32_0 : i32, i32
  }
  func.func @transform_7(%arg0: i32) -> (i32, i32) {
    %c0_i32 = arith.constant 0 : i32
    %c0_i32_0 = arith.constant 0 : i32
    %c0_i32_1 = arith.constant 0 : i32
    return %c0_i32, %c0_i32_0 : i32, i32
  }
  func.func @transform_8(%arg0: i32) -> (i32, i32) {
    %c0_i32 = arith.constant 0 : i32
    %c0_i32_0 = arith.constant 0 : i32
    %c0_i32_1 = arith.constant 0 : i32
    return %c0_i32, %c0_i32_0 : i32, i32
  }
  func.func @transform_9(%arg0: i32) -> (i32, i32) {
    %c0_i32 = arith.constant 0 : i32
    %c0_i32_0 = arith.constant 0 : i32
    %c0_i32_1 = arith.constant 0 : i32
    return %c0_i32, %c0_i32_0 : i32, i32
  }
  func.func @transform_10(%arg0: i32) -> (i32, i32) {
    %c0_i32 = arith.constant 0 : i32
    %c0_i32_0 = arith.constant 0 : i32
    %c0_i32_1 = arith.constant 0 : i32
    return %c0_i32, %c0_i32_0 : i32, i32
  }
  func.func @transform_11(%arg0: i32) -> (i32, i32) {
    %c0_i32 = arith.constant 0 : i32
    %c0_i32_0 = arith.constant 0 : i32
    %c0_i32_1 = arith.constant 0 : i32
    return %c0_i32, %c0_i32_0 : i32, i32
  }
  func.func @transform_12(%arg0: i32) -> (i32, i32) {
    %c0_i32 = arith.constant 0 : i32
    %c0_i32_0 = arith.constant 0 : i32
    return %arg0, %c0_i32 : i32, i32
  }
}

module attributes {stable_mosaic.version = 14 : i64} {
  func.func @_layer_mlp_body(%arg0: i32, %arg1: memref<5000x128xf32, #tpu.memory_space<vmem>>, %arg2: memref<2x5000x128xf32, #tpu.memory_space<vmem>>, %arg3: memref<128x128xf32, #tpu.memory_space<vmem>>, %arg4: memref<1x128xf32, #tpu.memory_space<vmem>>, %arg5: memref<1x128xf32, #tpu.memory_space<vmem>>, %arg6: memref<1x128xf32, #tpu.memory_space<vmem>>, %arg7: memref<128x128xf32, #tpu.memory_space<vmem>>, %arg8: memref<1x128xf32, #tpu.memory_space<vmem>>, %arg9: memref<5000x128xf32, #tpu.memory_space<vmem>>) attributes {dimension_semantics = [#tpu.dimension_semantics<arbitrary>], iteration_bounds = array<i64: 2>, scalar_prefetch = 0 : i64, scratch_operands = 0 : i64, tpu.core_type = #tpu.core_type<tc>, window_params = [{transform_indices = @transform_0, window_bounds = array<i64: 5000, 128>}, {transform_indices = @transform_1, window_bounds = array<i64: 2, 5000, 128>}, {pipeline_mode = #tpu.pipeline_mode<synchronous>, transform_indices = @transform_2, window_bounds = array<i64: 128, 128>}, {pipeline_mode = #tpu.pipeline_mode<synchronous>, transform_indices = @transform_3, window_bounds = array<i64: 1, 128>}, {pipeline_mode = #tpu.pipeline_mode<synchronous>, transform_indices = @transform_4, window_bounds = array<i64: 1, 128>}, {pipeline_mode = #tpu.pipeline_mode<synchronous>, transform_indices = @transform_5, window_bounds = array<i64: 1, 128>}, {pipeline_mode = #tpu.pipeline_mode<synchronous>, transform_indices = @transform_6, window_bounds = array<i64: 128, 128>}, {pipeline_mode = #tpu.pipeline_mode<synchronous>, transform_indices = @transform_7, window_bounds = array<i64: 1, 128>}, {transform_indices = @transform_8, window_bounds = array<i64: 5000, 128>}]} {
    %get3A = arith.constant 0 : index
    %get3A_0 = arith.constant 0 : index
    %get3A_1 = vector.load %arg1[%get3A, %get3A_0] : memref<5000x128xf32, #tpu.memory_space<vmem>>, vector<5000x128xf32>
    %get3A_2 = arith.constant 0 : index
    %get3A_3 = arith.constant 0 : index
    %get3A_4 = arith.constant 0 : index
    %get3A_5 = vector.load %arg2[%get3A_2, %get3A_3, %get3A_4] : memref<2x5000x128xf32, #tpu.memory_space<vmem>>, vector<1x5000x128xf32>
    %get3A_6 = vector.shape_cast %get3A_5 : vector<1x5000x128xf32> to vector<5000x128xf32>
    %add3A = arith.addf %get3A_1, %get3A_6 : vector<5000x128xf32>
    %get3A_7 = arith.constant 1 : index
    %get3A_8 = arith.constant 0 : index
    %get3A_9 = arith.constant 0 : index
    %get3A_10 = vector.load %arg2[%get3A_7, %get3A_8, %get3A_9] : memref<2x5000x128xf32, #tpu.memory_space<vmem>>, vector<1x5000x128xf32>
    %get3A_11 = vector.shape_cast %get3A_10 : vector<1x5000x128xf32> to vector<5000x128xf32>
    %add3A_12 = arith.addf %add3A, %get3A_11 : vector<5000x128xf32>
    %get3A_13 = arith.constant 0 : index
    %get3A_14 = arith.constant 0 : index
    %get3A_15 = vector.load %arg3[%get3A_13, %get3A_14] : memref<128x128xf32, #tpu.memory_space<vmem>>, vector<128x128xf32>
    %dot_general3A = arith.constant dense<0.000000e+00> : vector<5000x128xf32>
    %dot_general3A_16 = tpu.matmul %add3A_12, %get3A_15, %dot_general3A {dimension_numbers = #tpu.dot_dimension_numbers<[1], [0], [0], [1], [0, 0, 1, 1], [], []>, transpose_lhs_hint = false} : vector<5000x128xf32>, vector<128x128xf32>, vector<5000x128xf32> -> vector<5000x128xf32>
    %get3A_17 = arith.constant 0 : index
    %get3A_18 = arith.constant 0 : index
    %get3A_19 = vector.load %arg4[%get3A_17, %get3A_18] : memref<1x128xf32, #tpu.memory_space<vmem>>, vector<1x128xf32>
    %add3A_20 = vector.broadcast %get3A_19 : vector<1x128xf32> to vector<5000x128xf32>
    %add3A_21 = arith.addf %dot_general3A_16, %add3A_20 : vector<5000x128xf32>
    %get3A_22 = arith.constant 0 : index
    %get3A_23 = arith.constant 0 : index
    %get3A_24 = vector.load %arg5[%get3A_22, %get3A_23] : memref<1x128xf32, #tpu.memory_space<vmem>>, vector<1x128xf32>
    %mul3A = vector.broadcast %get3A_24 : vector<1x128xf32> to vector<5000x128xf32>
    %mul3A_25 = arith.mulf %add3A_21, %mul3A : vector<5000x128xf32>
    %get3A_26 = arith.constant 0 : index
    %get3A_27 = arith.constant 0 : index
    %get3A_28 = vector.load %arg6[%get3A_26, %get3A_27] : memref<1x128xf32, #tpu.memory_space<vmem>>, vector<1x128xf32>
    %add3A_29 = vector.broadcast %get3A_28 : vector<1x128xf32> to vector<5000x128xf32>
    %add3A_30 = arith.addf %mul3A_25, %add3A_29 : vector<5000x128xf32>
    %max3A = arith.constant 0.000000e+00 : f32
    %max3A_31 = vector.broadcast %max3A : f32 to vector<5000x128xf32>
    %max3A_32 = arith.maximumf %add3A_30, %max3A_31 : vector<5000x128xf32>
    %get3A_33 = arith.constant 0 : index
    %get3A_34 = arith.constant 0 : index
    %get3A_35 = vector.load %arg7[%get3A_33, %get3A_34] : memref<128x128xf32, #tpu.memory_space<vmem>>, vector<128x128xf32>
    %dot_general3A_36 = arith.constant dense<0.000000e+00> : vector<5000x128xf32>
    %dot_general3A_37 = tpu.matmul %max3A_32, %get3A_35, %dot_general3A_36 {dimension_numbers = #tpu.dot_dimension_numbers<[1], [0], [0], [1], [0, 0, 1, 1], [], []>, transpose_lhs_hint = false} : vector<5000x128xf32>, vector<128x128xf32>, vector<5000x128xf32> -> vector<5000x128xf32>
    %get3A_38 = arith.constant 0 : index
    %get3A_39 = arith.constant 0 : index
    %get3A_40 = vector.load %arg8[%get3A_38, %get3A_39] : memref<1x128xf32, #tpu.memory_space<vmem>>, vector<1x128xf32>
    %add3A_41 = vector.broadcast %get3A_40 : vector<1x128xf32> to vector<5000x128xf32>
    %add3A_42 = arith.addf %dot_general3A_37, %add3A_41 : vector<5000x128xf32>
    %max3A_43 = arith.constant 0.000000e+00 : f32
    %max3A_44 = vector.broadcast %max3A_43 : f32 to vector<5000x128xf32>
    %max3A_45 = arith.maximumf %add3A_42, %max3A_44 : vector<5000x128xf32>
    %swap3A = arith.constant 0 : index
    %swap3A_46 = arith.constant 0 : index
    %swap3A_47 = vector.load %arg9[%swap3A, %swap3A_46] : memref<5000x128xf32, #tpu.memory_space<vmem>>, vector<5000x128xf32>
    tpu.vector_store %arg9[%swap3A, %swap3A_46], %max3A_45 {strides = array<i32>} : memref<5000x128xf32, #tpu.memory_space<vmem>>, vector<5000x128xf32>,
    return
  }
  func.func @transform_0(%arg0: i32) -> (i32, i32) {
    %c0_i32 = arith.constant 0 : i32
    %c0_i32_0 = arith.constant 0 : i32
    return %arg0, %c0_i32 : i32, i32
  }
  func.func @transform_1(%arg0: i32) -> (i32, i32, i32) {
    %c0_i32 = arith.constant 0 : i32
    %c0_i32_0 = arith.constant 0 : i32
    %c0_i32_1 = arith.constant 0 : i32
    return %c0_i32, %arg0, %c0_i32_0 : i32, i32, i32
  }
  func.func @transform_2(%arg0: i32) -> (i32, i32) {
    %c0_i32 = arith.constant 0 : i32
    %c0_i32_0 = arith.constant 0 : i32
    %c0_i32_1 = arith.constant 0 : i32
    return %c0_i32, %c0_i32_0 : i32, i32
  }
  func.func @transform_3(%arg0: i32) -> (i32, i32) {
    %c0_i32 = arith.constant 0 : i32
    %c0_i32_0 = arith.constant 0 : i32
    %c0_i32_1 = arith.constant 0 : i32
    return %c0_i32, %c0_i32_0 : i32, i32
  }
  func.func @transform_4(%arg0: i32) -> (i32, i32) {
    %c0_i32 = arith.constant 0 : i32
    %c0_i32_0 = arith.constant 0 : i32
    %c0_i32_1 = arith.constant 0 : i32
    return %c0_i32, %c0_i32_0 : i32, i32
  }
  func.func @transform_5(%arg0: i32) -> (i32, i32) {
    %c0_i32 = arith.constant 0 : i32
    %c0_i32_0 = arith.constant 0 : i32
    %c0_i32_1 = arith.constant 0 : i32
    return %c0_i32, %c0_i32_0 : i32, i32
  }
  func.func @transform_6(%arg0: i32) -> (i32, i32) {
    %c0_i32 = arith.constant 0 : i32
    %c0_i32_0 = arith.constant 0 : i32
    %c0_i32_1 = arith.constant 0 : i32
    return %c0_i32, %c0_i32_0 : i32, i32
  }
  func.func @transform_7(%arg0: i32) -> (i32, i32) {
    %c0_i32 = arith.constant 0 : i32
    %c0_i32_0 = arith.constant 0 : i32
    %c0_i32_1 = arith.constant 0 : i32
    return %c0_i32, %c0_i32_0 : i32, i32
  }
  func.func @transform_8(%arg0: i32) -> (i32, i32) {
    %c0_i32 = arith.constant 0 : i32
    %c0_i32_0 = arith.constant 0 : i32
    return %arg0, %c0_i32 : i32, i32
  }
}

</mosaic_0001>

<sc_bundles>
// kernel: kernel.6.cloned.1.call-start
scs
__scs_entry_jumppad:
0x0: {  	(pc) =	sbr.rel $0x88, $3  }
0x1: {  	(tag) =	ssettag $0x0;
	lr =	simm.s32 $0x1  }
0x2: {  	[smem:$0x3F8F] =	sst lr;
	_ =	strace $0xD0000000  }
0x3: {  	_ = 	snop  }
0x4: {  	_ = 	snop  }
0x5: {  	_ = 	snop  }
0x6: {  	_ = 	snop  }
0x7: {  	_ = 	snop  }
__scs_overlays_trampoline_lowered:
0x8: {  	[smem:$0x3F9E] =	sst s0  }
0x9: {  	[smem:$0x3F9F] =	sst s1  }
0xa: {  	[smem:$0x3FA0] =	sst s2  }
0xb: {  	[smem:$0x3FA1] =	sst s3  }
0xc: {  	[smem:$0x3FA2] =	sst s4  }
0xd: {  	[smem:$0x3FA3] =	sst s5  }
0xe: {  	[smem:$0x3FA4] =	sst s6  }
0xf: {  	[smem:$0x3FA5] =	sst s7  }
0x10: {  	[smem:$0x3FA6] =	sst s8  }
0x11: {  	[smem:$0x3FA7] =	sst s9;
	s0 =	simm.s32 @!p0 $0x0  }
0x12: {  	s1 =	sld [smem:$0x3F8D];
	s0 =	simm.s32 @p0 $0x1  }
0x13: {  	[smem:$0x3FA8] =	sst s0;
	s0 =	simm.s32 @!p1 $0x0  }
0x14: {  	s2 =	sld [smem:$0x3F8C];
	s0 =	simm.s32 @p1 $0x1  }
0x15: {  	[smem:$0x3FA9] =	sst s0;
	s0 =	simm.s32 @!p2 $0x0  }
0x16: {  	s3 =	sld [smem:$0x3FDB];
	s0 =	simm.s32 @p2 $0x1  }
0x17: {  	s4 =	simm.s32 $0x1BF5;
	[smem:$0x3FAB] =	sst s0  }
0x18: {  	s0 =	sld [smem:$0x3F8E];
	_ =	swait.ge [sflag:s4], $0x0  }
0x19: {  	s7 =	sld [smem:$0x3F8F]  }
0x1a: {  	s8 =	sadd.s32 $0xFFFFE003, lr  }
0x1b: {  	s9 =	sadd.s32 $0xFFFFFEF7, lr;
	s5 =	simm.s32 $0xFFFFFFFF;
	p2 =	slt.u32 s8, $0xFFFFF086  }
0x1c: {  	p1 =	slt.u32 s9, $0xF7A;
	s5 =	simm.s32 @!p2 $0x0  }
0x1d: {  	s5 =	simm.s32 @p1 $0x1;
	p0 =	seq.s32 s7, s2  }
0x1e: {  	s7 =	smul.u32 @!p0 $0xF7A, s2;
	p2 =	seq.s32 @!p0 s5, $0x0  }
0x1f: {  	s9 =	smul.u32 $0xF7A, s1;
	s8 =	simm.s32 @!p0 $0x1BF5;
	p2 =	por !p2, p0  }
0x20: {  	[sflag:s8] =	ssyncset.s32 @!p0 $0xFFFFF086;
	s6 =	sadd.s32 @!p0 s3, s7;
	s7 =	simm.s32 @!p0 $0x108  }
0x21: {  	s3 =	sadd.s32 s3, s9;
	s6 =	sadd.s32 @!p0 $0x88, s6;
	s7 =	simm.s32 @p2 $0x1082  }
0x22: {  	[simem:s7], [sflag:s8] =	dma.local @!p0 [hbm:s6], $0xF7A  }
0x23: {  	s9 =	sor.u32 $0xD0000000, s2;
	s6 =	simm.s32 $0x108;
	_ =	swait.ge @!p0 [sflag:s8], $0x0  }
0x24: {  	s3 =	sadd.s32 $0x88, s3;
	s6 =	simm.s32 @!p1 $0x1082;
	[sflag:s4] =	ssyncset.s32 $0xFFFFF086  }
0x25: {  	[simem:s6], [sflag:s4] =	dma.local [hbm:s3], $0xF7A  }
0x26: {  	[smem:$0x3F8F] =	sst s1;
	(tag) =	ssettag s2;
	_ =	strace s9  }
0x27: {  	s1 =	sld [smem:$0x3F9F]  }
0x28: {  	s2 =	sld [smem:$0x3FA0]  }
0x29: {  	s4 =	sld [smem:$0x3FA2]  }
0x2a: {  	p0 =	seq.s32 s5, $0x0;
	s5 =	sld [smem:$0x3FA3]  }
0x2b: {  	s6 =	sld [smem:$0x3FA4]  }
0x2c: {  	s7 =	sld [smem:$0x3FA5]  }
0x2d: {  	s3 =	simm.s32 $0x108;
	s8 =	sld [smem:$0x3FA6]  }
0x2e: {  	s3 =	simm.s32 @!p0 $0x1082;
	s9 =	sld [smem:$0x3FA7]  }
0x2f: {  	lr =	sadd.s32 s0, s3;
	s0 =	sld [smem:$0x3F9E]  }
0x30: {  	s3 =	sld [smem:$0x3FA1]  }
0x31: {  	[smem:$0x3FAA] =	sst s10  }
0x32: {  	s10 =	sld [smem:$0x3FA8];
	_ =	sdelay $0x3  }
0x33: {  	p0 =	seq.s32 s10, $0x1;
	s10 =	sld [smem:$0x3FAA];
	_ =	sdelay $0x3  }
0x34: {  	[smem:$0x3FAA] =	sst s10  }
0x35: {  	s10 =	sld [smem:$0x3FA9];
	_ =	sdelay $0x3  }
0x36: {  	p1 =	seq.s32 s10, $0x1;
	s10 =	sld [smem:$0x3FAA];
	_ =	sdelay $0x3  }
0x37: {  	[smem:$0x3FAA] =	sst s10  }
0x38: {  	s10 =	sld [smem:$0x3FAB]  }
0x39: {  	_ = 	snop;
	(pc) =	sbr.ind lr, $3  }
0x3a: {  	_ = 	snop  }
0x3b: {  	_ = 	snop  }
0x3c: {  	p2 =	seq.s32 s10, $0x1;
	s10 =	sld [smem:$0x3FAA]  }
0x3d: {  	_ =	shalt  }
0x3e: {  	_ =	shalt  }
0x3f: {  	_ =	shalt  }
0x40: {  	_ =	shalt  }
0x41: {  	_ =	shalt  }
0x42: {  	_ =	shalt  }
0x43: {  	_ =	shalt  }
0x44: {  	_ =	shalt  }
0x45: {  	_ =	shalt  }
0x46: {  	_ =	shalt  }
0x47: {  	_ =	shalt  }
0x48: {  	_ =	shalt  }
0x49: {  	_ =	shalt  }
0x4a: {  	_ =	shalt  }
0x4b: {  	_ =	shalt  }
0x4c: {  	_ =	shalt  }
0x4d: {  	_ =	shalt  }
0x4e: {  	_ =	shalt  }
0x4f: {  	_ =	shalt  }
0x50: {  	_ =	shalt  }
0x51: {  	_ =	shalt  }
0x52: {  	_ =	shalt  }
0x53: {  	_ =	shalt  }
0x54: {  	_ =	shalt  }
0x55: {  	_ =	shalt  }
0x56: {  	_ =	shalt  }
0x57: {  	_ =	shalt  }
0x58: {  	_ =	shalt  }
0x59: {  	_ =	shalt  }
0x5a: {  	_ =	shalt  }
0x5b: {  	_ =	shalt  }
0x5c: {  	_ =	shalt  }
0x5d: {  	_ =	shalt  }
0x5e: {  	_ =	shalt  }
0x5f: {  	_ =	shalt  }
0x60: {  	_ =	shalt  }
0x61: {  	_ =	shalt  }
0x62: {  	_ =	shalt  }
0x63: {  	_ =	shalt  }
0x64: {  	_ =	shalt  }
0x65: {  	_ =	shalt  }
0x66: {  	_ =	shalt  }
0x67: {  	_ =	shalt  }
0x68: {  	_ =	shalt  }
0x69: {  	_ =	shalt  }
0x6a: {  	_ =	shalt  }
0x6b: {  	_ =	shalt  }
0x6c: {  	_ =	shalt  }
0x6d: {  	_ =	shalt  }
0x6e: {  	_ =	shalt  }
0x6f: {  	_ =	shalt  }
0x70: {  	_ =	shalt  }
0x71: {  	_ =	shalt  }
0x72: {  	_ =	shalt  }
0x73: {  	_ =	shalt  }
0x74: {  	_ =	shalt  }
0x75: {  	_ =	shalt  }
0x76: {  	_ =	shalt  }
0x77: {  	_ =	shalt  }
0x78: {  	_ =	shalt  }
0x79: {  	_ =	shalt  }
0x7a: {  	_ =	shalt  }
0x7b: {  	_ =	shalt  }
0x7c: {  	_ =	shalt  }
0x7d: {  	_ =	shalt  }
0x7e: {  	_ =	shalt  }
0x7f: {  	_ =	shalt  }
0x80: {  	_ =	shalt  }
0x81: {  	_ =	shalt  }
0x82: {  	_ =	shalt  }
0x83: {  	_ =	shalt  }
0x84: {  	_ =	shalt  }
0x85: {  	_ =	shalt  }
0x86: {  	_ =	shalt  }
0x87: {  	_ =	shalt  }
.Lfunc_end0:
.L_simem_size_0:
called_computation_lowered:
.L_overlay_start_0:
0x88: {  	s2 =	sld [smem:$0x3FD9]  }
0x89: {  	s3 =	sld [smem:$0x3FFE];
	_ =	sdelay $0x1  }
0x8a: {  	s1 =	srdreg.scid  }
0x8b: {  	s0 =	sand.u32 $0x1, s1  }
0x8c: {  	s17 =	sshll.u32 s0, $0xA;
	s2 =	sadd.s32 s3, s2  }
0x8d: {  	s2 =	sadd.s32 s2, s17  }
0x8e: {  	[smem:$0x3FB6] =	sst s2  }
0x8f: {  	_ = 	snop  }
0x90: {  	s2 =	sld [smem:$0x3FC9]  }
0x91: {  	s18 =	sld [smem:$0x3FD0];
	(tm) =	ssettm $0x1  }
0x92: {  	s4 =	sld [smem:$0x3FFB];
	_ =	sdelay $0x3  }
0x93: {  	_ =	strace s4  }
0x94: {  	s4 =	sld [smem:$0x3FFC];
	_ =	sdelay $0x3  }
0x95: {  	_ =	strace s4  }
0x96: {  	s4 =	sld [smem:$0x3FFD];
	_ =	sdelay $0x3  }
0x97: {  	_ =	strace s4  }
0x98: {  	_ =	strace $0x8FFFFFFF  }
0x99: {  	s19 =	sld [smem:$0x3FDB];
	_ =	sdelay $0x1  }
0x9a: {  	s5 =	simm.s32 $_scs_section_size  }
0x9b: {  	s6 =	simm.s32 $_size__tile_overlayer_lowered;
	s7 =	simm.s32 $_tile_overlayer_lowered  }
0x9c: {  	s22 =	simm.s32 $0x1BFF;
	s21 =	sshll.u32 s7, $0x1;
	s4 =	sadd.s32 s5, s19  }
0x9d: {  	s8 =	simm.s32 $0x0;
	s20 =	sshll.u32 s6, $0x1;
	s6 =	sadd.s32 s21, s4  }
0x9e: {  	[timem:s8], [sflag:s22] =	dma.local [hbm:s6], s20  }
0x9f: {  	_ =	swait.ge [sflag:s22], s20  }
0xa0: {  	s5 =	ssub.s32 $0x0, s20;
	[sflag:s22] =	ssyncset.done $0x0  }
0xa1: {  	[sflag:s22] =	ssyncadd.s32 s5;
	_ =	sdelay $0x1  }
0xa2: {  	s23 =	simm.s32 $0x1B8B  }
0xa3: {  	_ =	swait.ge [sflag:s23], $0x1  }
0xa4: {  	[sflag:s23] =	ssyncset.done $0x0  }
0xa5: {  	s25 =	simm.s32 $0x1B8E;
	s24 =	sld [smem:$0x3FFE];
	[sflag:s23] =	ssyncadd.s32 $0xFFFFFFFF  }
0xa6: {  	s26 =	simm.s32 $execute0_lowered;
	[smem:$0x3FD2] =	sst s25  }
0xa7: {  	s6 =	sshll.u32 s26, $0x1;
	_ =	strace $0x80000046;
	[dreg:$0x1] =	wrdreg $0xFFFFFFFF  }
0xa8: {  	s28 =	simm.s32 $_size_execute0_lowered;
	s4 =	sadd.s32 s4, s6;
	[dreg:$0x0] =	wrdreg $0x0  }
0xa9: {  	s6 =	sshll.u32 s28, $0x1;
	[dreg:$0x2] =	wrdreg s4  }
0xaa: {  	[dreg:$0x3] =	wrdreg s6  }
0xab: {  	[dreg:$0x4] =	wrdreg $0xC0  }
0xac: {  	_ =	task [dreg:s8], $0x5FFFF  }
0xad: {  	[dreg:$0x1] =	wrdreg $0xFFFFFFFF  }
0xae: {  	[dreg:$0x0] =	wrdreg $0x60  }
0xaf: {  	[dreg:$0x2] =	wrdreg s2  }
0xb0: {  	[dreg:$0x3] =	wrdreg s18  }
0xb1: {  	[dreg:$0x4] =	wrdreg s24  }
0xb2: {  	[dreg:$0x5] =	wrdreg $0xA1000  }
0xb3: {  	[dreg:$0x6] =	wrdreg $0x9  }
0xb4: {  	_ =	task.clear_ibuf [dreg:s8], $0x7FFFF;
	_ =	strace $0x90000046  }
0xb5: {  	s29 =	simm.s32 $0x9;
	_ =	strace $0x80000048  }
0xb6: {  	_ =	swait.ge [sflag:s29], $0x1  }
0xb7: {  	[sflag:s29] =	ssyncadd.s32 $0xFFFFFFFF  }
0xb8: {  	_ =	strace $0x90000048  }
0xb9: {  	_ =	sfence  }
0xba: {  	s30 =	sld [smem:$0x0];
	_ =	sdelay $0x2  }
0xbb: {  	s31 =	sshll.u32 s1, $0xD;
	s1 =	sshrl.u32 s1, $0x2  }
0xbc: {  	s3 =	sand.u32 $0x4000, s31;
	s1 =	sadd.s32 s1, s30  }
0xbd: {  	s0 =	sor.u32 s3, s0;
	s1 =	sshll.u32 s1, $0x11  }
0xbe: {  	s0 =	sor.u32 s1, s0  }
0xbf: {  	s0 =	sadd.s32 $0x8F2B, s0  }
0xc0: {  	[sflag:s0] =	ssyncadd.remote.s32 $0x1  }
0xc1: {  	_ =	sfence.sel $0xFFFF  }
0xc2: {  	[dreg:$0x0] =	wrdreg $0xFFFFFFFF;
	(pc) =	sbr.abs _section_cstart, $3  }
0xc3: {  	[dreg:$0x1] =	wrdreg $0xFFFFFFFF  }
0xc4: {  	_ =	task.clear_ibuf [dreg:s8], $0x2FFFF;
	_ =	strace $0x9FFFFFFF  }
0xc5: {  	(tm) =	ssettm $0x7FFFFFFF  }
tec
execute0_lowered:
.L_overlay_start_1:
0x0: {  	(tag) =	ssettag $0x1  }
0x1: {  	s0 =	rddreg [dreg:$0x0]  }
0x2: {  	s1 =	rddreg [dreg:$0x1]  }
0x3: {  	s2 =	srdreg.scid;
	s5 =	rddreg [dreg:$0x2]  }
0x4: {  	s9 =	stileid.u32;
	s3 =	rddreg [dreg:$0x3]  }
0x5: {  	s4 =	simm.s32 $0x0;
	s28 =	simm.s32 $0x3;
	s29 =	simm.s32 $0x5  }
0x6: {  	s30 =	simm.s32 $0x6;
	s31 =	simm.s32 $0x7;
	s7 =	smul.u32 $0x2800, s9  }
0x7: {  	s2 =	sand.u32 $0x1, s2;
	s8 =	sshll.u32 s9, $0x1;
	s20 =	smul.u32 $0xA000, s9  }
0x8: {  	[smem:$0x7FF] =	sst s4;
	s21 =	ssub.s32 $0x8C, s9;
	s12 =	smul.u32 $0x4E20, s9  }
0x9: {  	s6 =	smul.u32 $0x138800, s2;
	s16 =	sor.u32 s2, s8;
	s17 =	ssub.s32 $0x2, s2  }
0xa: {  	_ =	strace $0x80000047;
	s2 =	smul.u32 $0x2710, s2;
	s18 =	sshrl.u32 s17, $0x1  }
0xb: {  	s6 =	sadd.s32 s7, s6;
	s7 =	smul.u32 $0x2710, s16;
	s8 =	ssub.s32 s17, s18  }
0xc: {  	s2 =	sadd.s32 s2, s12;
	s16 =	simm.s32 $0x2900;
	s17 =	simm.s32 $0x8  }
0xd: {  	s18 =	simm.s32 $0x1;
	s6 =	sshrl.u32 s6, $0x3;
	s24 =	smax.u32 s8, $0x1  }
0xe: {  	s25 =	sadd.s32 $0x4E390, s2;
	s26 =	sadd.s32 $0x4E340, s2;
	s2 =	sadd.s32 $0x4E2F0, s2  }
0xf: {  	s11 =	sadd.s32 s6, s5;
	s19 =	sshrl.u32 s7, $0x3;
	s6 =	sshrl.u32 s21, $0x4  }
0x10: {  	s7 =	sshrl.u32 s20, $0x2;
	[dreg:$0x9] =	wrdreg s24;
	s8 =	sshrl.u32 s26, $0x3  }
0x11: {  	s2 =	sshrl.u32 s2, $0x3;
	s20 =	simm.s32 $0x2780;
	s21 =	simm.s32 $0x5100  }
0x12: {  	s24 =	simm.s32 $0x7900;
	s26 =	simm.s32 $0x2;
	s5 =	sadd.s32 s1, s19  }
0x13: {  	s9 =	sadd.s32 s7, s3;
	s7 =	sshrl.u32 s25, $0x3;
	s13 =	sadd.s32 s8, s1  }
0x14: {  	s14 =	sadd.s32 s2, s1;
	s15 =	sadd.s32 $0x3800, s11;
	s19 =	simm.s32 $0x50  }
0x15: {  	s25 =	simm.s32 $0x2880;
	s22 =	sadd.s32 $0x9C40, s5;
	[dreg:$0x5] =	wrdreg s5  }
0x16: {  	s2 =	simm.s32 $0x4;
	s23 =	sadd.s32 $0x9C4A, s5;
	[dreg:$0x6] =	wrdreg s22  }
0x17: {  	s5 =	sadd.s32 $0x9C54, s5;
	s12 =	sadd.s32 s7, s1;
	[dreg:$0x7] =	wrdreg s23  }
0x18: {  	v0 =	vimm.f32 $0.0e+00;
	s1 =	simm.s32 $0x0;
	[dreg:$0x8] =	wrdreg s5;
	s22 =	simm.s32 $0x2800  }
.LBB2_1:
0x19: {  	s5 =	rddreg [dreg:$0x5];
	s7 =	simm.s32 $0x0;
	s8 =	simm.s32 $0x200  }
0x1a: {  	[tilespmem:s4], [sflag:$0x1] =	stream.linear.gather [hbm4b:s5+s4], $0x2710, $0x38;
	[tilespmem:$0x1D980] =	vst v63  }
.LBB2_2:
0x1b: {  	p0 =	sne.s32 s8, $0x9E00;
	[tilespmem:s7+$0x2970] =	vst v0  }
0x1c: {  	[tilespmem:s7+$0x2900] =	vst v0  }
0x1d: {  	[tilespmem:s7+$0x2910] =	vst v0  }
.Ltmp0:
0x1e: {  	[tilespmem:s7+$0x2920] =	vst v0;
	(pc) =	sbr.rel @p0 .LBB2_2-.Ltmp0, $4  }
0x1f: {  	[tilespmem:s7+$0x2930] =	vst v0  }
0x20: {  	[tilespmem:s7+$0x2940] =	vst v0  }
0x21: {  	[tilespmem:s7+$0x2950] =	vst v0  }
0x22: {  	[tilespmem:s7+$0x2960] =	vst v0;
	s7 =	sshra.s32 s8, $0x2;
	s8 =	sadd.s32 $0x200, s8  }
0x23: {  	[tilespmem:s7+$0x2970] =	vst v0  }
0x24: {  	[tilespmem:s7+$0x2900] =	vst v0  }
0x25: {  	[tilespmem:s7+$0x2910] =	vst v0  }
0x26: {  	[tilespmem:s7+$0x2920] =	vst v0  }
0x27: {  	[tilespmem:s7+$0x2930] =	vst v0  }
0x28: {  	[tilespmem:s7+$0x2940] =	vst v0;
	p0 =	sne.s32 s6, $0x1  }
.Ltmp1:
0x29: {  	[tilespmem:s7+$0x2950] =	vst v0;
	(pc) =	sbr.rel @!p0 .LBB2_5-.Ltmp1, $4  }
0x2a: {  	[tilespmem:s7+$0x2960] =	vst v0  }
0x2b: {  	[spmem:s9] =	stream.linear.scatter [tilespmem:s16], [sflag:$0x8], $0x2800, $0x38;
	[tilespmem:$0x1D980] =	vst v63  }
0x2c: {  	_ =	swait.ge [sflag:s17], $0x2800  }
0x2d: {  	s7 =	sadd.s32 $0xFFFFFFFF, s6;
	s8 =	smov.u32 s9;
	[sflag:s17] =	ssyncset.done $0x0  }
.LBB2_4:
0x2e: {  	p1 =	sne.s32 s7, $0x1;
	[sflag:s17] =	ssyncadd.s32 $0xFFFFD800;
	s8 =	sadd.s32 $0x28000, s8  }
.Ltmp2:
0x2f: {  	s7 =	sadd.s32 $0xFFFFFFFF, s7;
	(pc) =	sbr.rel @p1 .LBB2_4-.Ltmp2, $4  }
0x30: {  	_ = 	snop  }
0x31: {  	[spmem:s8] =	stream.linear.scatter [tilespmem:s16], [sflag:$0x8], $0x2800, $0x38;
	[tilespmem:$0x1D980] =	vst v63  }
0x32: {  	_ =	swait.ge [sflag:s17], $0x2800  }
0x33: {  	[sflag:s17] =	ssyncset.done $0x0  }
.LBB2_5:
0x34: {  	[sflag:s17] =	ssyncadd.s32 $0xFFFFD800  }
0x35: {  	_ =	swait.ge [sflag:s18], $0x2710  }
0x36: {  	[sflag:s18] =	ssyncset.done $0x0  }
0x37: {  	s23 =	simm.s32 $0x0;
	[sflag:s18] =	ssyncadd.s32 $0xFFFFD8F0  }
0x38: {  	[tilespmem:s16], [sflag:$0x2] =	stream.indirect.gather [hbm4b:s0+s19], $0x80, s23, s19, $0xb8;
	[tilespmem:$0x1D980] =	vst v63  }
0x39: {  	s5 =	rddreg [dreg:$0x6]  }
0x3a: {  	[tilespmem:s20], [sflag:$0x2] =	stream.linear.gather [hbm4b:s5+s23], $0x50, $0x38;
	[tilespmem:$0x1D980] =	vst v63  }
0x3b: {  	_ = 	snop  }
0x3c: {  	[tilespmem:s21], [sflag:$0x3] =	stream.indirect.gather [hbm4b:s0+s19], $0x80, s19, s19, $0xb8;
	[tilespmem:$0x1D980] =	vst v63  }
0x3d: {  	s8 =	rddreg [dreg:$0x7]  }
0x3e: {  	[tilespmem:s22], [sflag:$0x3] =	stream.linear.gather [hbm4b:s8+s23], $0x50, $0x38;
	[tilespmem:$0x1D980] =	vst v63  }
0x3f: {  	s10 =	simm.s32 $0xA0  }
0x40: {  	[tilespmem:s24], [sflag:$0x4] =	stream.indirect.gather [hbm4b:s0+s19], $0x80, s10, s19, $0xb8;
	[tilespmem:$0x1D980] =	vst v63  }
0x41: {  	s11 =	rddreg [dreg:$0x8]  }
0x42: {  	[tilespmem:s25], [sflag:$0x4] =	stream.linear.gather [hbm4b:s11+s23], $0x50, $0x38;
	[tilespmem:$0x1D980] =	vst v63  }
0x43: {  	s7 =	simm.s32 $0x190;
	s8 =	simm.s32 $0x0;
	[bflag:$0x0] =	sbarrier.arrive $0xFFFF  }
.LBB2_6:
0x44: {  	_ =	swait.ge [sflag:s26], $0x2800  }
0x45: {  	p1 =	seq.s32 s23, $0x4CE;
	[sflag:s26] =	ssyncset.done $0x0  }
.Ltmp3:
0x46: {  	[sflag:s26] =	ssyncadd.s32 $0xFFFFD800;
	(pc) =	sbr.rel @p1 .LBB2_12-.Ltmp3, $4  }
0x47: {  	_ =	swait.ge [sflag:s26], $0x50  }
0x48: {  	[sflag:s26] =	ssyncset.done $0x0  }
0x49: {  	[sflag:s26] =	ssyncadd.s32 $0xFFFFFFB0  }
0x4a: {  	[spmem:s3] =	stream.indirect.scatter.add.f32 [tilespmem:s16], [sflag:$0x5], $0x80, s20, s19, $0xb8;
	[tilespmem:$0x1D980] =	vst v63  }
0x4b: {  	_ =	swait.ge [sflag:s29], $0x2800  }
0x4c: {  	[sflag:s29] =	ssyncset.done $0x0  }
0x4d: {  	s11 =	sadd.s32 $0xFFFFFF60, s7;
	[sflag:s29] =	ssyncadd.s32 $0xFFFFD800  }
0x4e: {  	[tilespmem:s16], [sflag:$0x2] =	stream.indirect.gather [hbm4b:s0+s19], $0x80, s11, s19, $0xb8;
	[tilespmem:$0x1D980] =	vst v63  }
0x4f: {  	s10 =	sadd.s32 s23, s14  }
0x50: {  	[tilespmem:s20], [sflag:$0x2] =	stream.linear.gather [hbm4b:s10+s4], $0x50, $0x38;
	[tilespmem:$0x1D980] =	vst v63  }
0x51: {  	_ =	swait.ge [sflag:s28], $0x2800  }
0x52: {  	[sflag:s28] =	ssyncset.done $0x0  }
0x53: {  	[sflag:s28] =	ssyncadd.s32 $0xFFFFD800  }
0x54: {  	_ =	swait.ge [sflag:s28], $0x50  }
0x55: {  	[sflag:s28] =	ssyncset.done $0x0  }
0x56: {  	[sflag:s28] =	ssyncadd.s32 $0xFFFFFFB0  }
0x57: {  	[spmem:s3] =	stream.indirect.scatter.add.f32 [tilespmem:s21], [sflag:$0x6], $0x80, s22, s19, $0xb8;
	[tilespmem:$0x1D980] =	vst v63  }
0x58: {  	_ =	swait.ge [sflag:s30], $0x2800  }
0x59: {  	[sflag:s30] =	ssyncset.done $0x0  }
0x5a: {  	s5 =	sadd.s32 $0xFFFFFFB0, s7;
	[sflag:s30] =	ssyncadd.s32 $0xFFFFD800  }
0x5b: {  	[tilespmem:s21], [sflag:$0x3] =	stream.indirect.gather [hbm4b:s0+s19], $0x80, s5, s19, $0xb8;
	[tilespmem:$0x1D980] =	vst v63  }
0x5c: {  	s10 =	sadd.s32 s23, s13  }
0x5d: {  	[tilespmem:s22], [sflag:$0x3] =	stream.linear.gather [hbm4b:s10+s4], $0x50, $0x38;
	[tilespmem:$0x1D980] =	vst v63  }
0x5e: {  	_ =	swait.ge [sflag:s2], $0x2800  }
0x5f: {  	[sflag:s2] =	ssyncset.done $0x0  }
0x60: {  	[sflag:s2] =	ssyncadd.s32 $0xFFFFD800  }
0x61: {  	_ =	swait.ge [sflag:s2], $0x50  }
0x62: {  	p1 =	sgt.u32 s8, $0x27;
	[sflag:s2] =	ssyncset.done $0x0  }
0x63: {  	s11 =	simm.s32 @!p1 $0x7;
	[sflag:s2] =	ssyncadd.s32 $0xFFFFFFB0  }
0x64: {  	[spmem:s3] =	stream.indirect.scatter.add.f32 [tilespmem:s24], [sflag:$0x7], $0x80, s25, s19, $0xb8;
	[tilespmem:$0x1D980] =	vst v63  }
0x65: {  	_ =	swait.ge @!p1 [sflag:s11], $0x2800  }
0x66: {  	s5 =	simm.s32 @!p1 $0x2880;
	[sflag:s11] =	ssyncset.done @!p1 $0x0  }
0x67: {  	s10 =	simm.s32 @!p1 $0x7900;
	[sflag:s11] =	ssyncadd.s32 @!p1 $0xFFFFD800;
	s11 =	simm.s32 @!p1 $0x50  }
0x68: {  	[tilespmem:s10], [sflag:$0x4] =	stream.indirect.gather @!p1 [hbm4b:s0+s11], $0x80, s7, s11, $0xb8;
	[tilespmem:$0x1D980] =	vst v63  }
0x69: {  	s10 =	sadd.s32 @!p1 s23, s12;
	s11 =	simm.s32 @!p1 $0x0;
	s23 =	sadd.s32 $0x1E, s23  }
0x6a: {  	[tilespmem:s5], [sflag:$0x4] =	stream.linear.gather @!p1 [hbm4b:s10+s11], $0x50, $0x38;
	[tilespmem:$0x1D980] =	vst v63  }
0x6b: {  	p1 =	sne.s32 s23, $0x4EC  }
.Ltmp4:
0x6c: {  	_ = 	snop;
	(pc) =	sbr.rel @p1 .LBB2_6-.Ltmp4, $4  }
.Ltmp5:
0x6d: {  	_ = 	snop;
	(pc) =	sbr.rel @!p1 .LBB2_8-.Ltmp5, $4  }
0x6e: {  	_ = 	snop  }
0x6f: {  	_ = 	snop  }
0x70: {  	s8 =	sadd.s32 $0x1, s8;
	s7 =	sadd.s32 $0xF0, s7  }
0x71: {  	_ = 	snop  }
.LBB2_12:
0x72: {  	_ =	swait.ge [sflag:s28], $0x2800  }
0x73: {  	[sflag:s28] =	ssyncset.done $0x0  }
0x74: {  	[sflag:s28] =	ssyncadd.s32 $0xFFFFD800  }
0x75: {  	_ =	swait.ge [sflag:s28], $0x50  }
0x76: {  	[sflag:s28] =	ssyncset.done $0x0  }
0x77: {  	[sflag:s28] =	ssyncadd.s32 $0xFFFFFFB0  }
0x78: {  	[spmem:s3] =	stream.indirect.scatter.add.f32 [tilespmem:s21], [sflag:$0x6], $0x80, s22, s19, $0xb8;
	[tilespmem:$0x1D980] =	vst v63  }
.LBB2_8:
0x79: {  	_ =	swait.ge [sflag:s29], $0x2800  }
0x7a: {  	[sflag:s29] =	ssyncset.done $0x0  }
0x7b: {  	[sflag:s29] =	ssyncadd.s32 $0xFFFFD800  }
0x7c: {  	_ =	swait.ge [sflag:s30], $0x2800  }
0x7d: {  	[sflag:s30] =	ssyncset.done $0x0  }
0x7e: {  	[sflag:s30] =	ssyncadd.s32 $0xFFFFD800  }
0x7f: {  	_ =	swait.ge [sflag:s31], $0x2800  }
.Ltmp6:
0x80: {  	s5 =	stileid.u32;
	[sflag:s31] =	ssyncset.done $0x0;
	(pc) =	sbr.rel @!p0 .LBB2_10-.Ltmp6, $4  }
0x81: {  	s23 =	sshrl.u32 s9, $0x3;
	s5 =	sshll.u32 s5, $0x6;
	[sflag:s31] =	ssyncadd.s32 $0xFFFFD800  }
0x82: {  	s8 =	sadd.s32 $0xFFFFFFFF, s6;
	s7 =	sor.u32 $0x1C08, s5;
	[bflag:$0x0] =	sbarrier.arrive $0xFFFF  }
0x83: {  	[hbm:s15], [sflag:s7] =	dma.local [spmem:s23], $0x500  }
0x84: {  	s11 =	smov.u32 s9;
	s23 =	sadd.s32 $0x5000, s15;
	_ =	swait.ge [sflag:s17], $0x500  }
.LBB2_9:
0x85: {  	[sflag:s17] =	ssyncset.done $0x0;
	s11 =	sadd.s32 $0x28000, s11;
	p0 =	sne.s32 s8, $0x1  }
.Ltmp7:
0x86: {  	s5 =	sshrl.u32 s11, $0x3;
	[sflag:s17] =	ssyncadd.s32 $0xFFFFFB00;
	(pc) =	sbr.rel @p0 .LBB2_9-.Ltmp7, $3  }
0x87: {  	[hbm:s23], [sflag:s7] =	dma.local [spmem:s5], $0x500  }
0x88: {  	s8 =	sadd.s32 $0xFFFFFFFF, s8;
	_ =	sdelay $0x1  }
0x89: {  	s23 =	sadd.s32 $0x5000, s23;
	_ =	swait.ge [sflag:s17], $0x500  }
.LBB2_10:
0x8a: {  	s1 =	sadd.s32 $0x1, s1;
	s5 =	rddreg [dreg:$0x9]  }
0x8b: {  	p0 =	sne.s32 s1, s5  }
.Ltmp8:
0x8c: {  	_ = 	snop;
	(pc) =	sbr.rel @p0 .LBB2_1-.Ltmp8, $3  }
0x8d: {  	_ =	sdelay $0x1  }
0x8e: {  	[sflag:s17] =	ssyncset.done $0x0  }
0x8f: {  	[sflag:s17] =	ssyncadd.s32 $0xFFFFFB00  }
0x90: {  	_ =	sfence.sel $0x180000  }
0x91: {  	[bflag:$0x0] =	sbarrier.arrive $0xFFFF  }
0x92: {  	_ =	strace $0x90000047  }
0x93: {  	s0 =	stileid.u32;
	[bflag:$0x2] =	sbarrier.arrive $0xFFFF  }
0x94: {  	p0 =	sne.s32 s0, $0x0;
	s0 =	rddreg [dreg:$0x4]  }
0x95: {  	s0 =	sadd.s32 @!p0 $0x100000, s0  }
0x96: {  	[sflag:s0] =	ssyncadd.tile.s32 @!p0 $0x1;
	_ =	shalt  }
.Lfunc_end2:
_tile_overlayer_lowered:
.L_overlay_start_2:
0x97: {  	(tag) =	ssettag $0x2  }
0x98: {  	s0 =	rddreg [dreg:$0x0];
	s2 =	stileid.u32  }
0x99: {  	s1 =	rddreg [dreg:$0x1];
	p0 =	sne.s32 s2, $0x0  }
0x9a: {  	s3 =	rddreg [dreg:$0x2];
	[bflag:$0x3] =	sbarrier.arrive $0xFFFF;
	s2 =	simm.s32 @!p0 $0x1C08  }
0x9b: {  	[timem:s3], [sflag:s2] =	dma.local @!p0 [hbm:s0], s1  }
0x9c: {  	s0 =	simm.s32 @!p0 $0x8  }
0x9d: {  	_ =	swait.ge @!p0 [sflag:s0], s1  }
0x9e: {  	s1 =	ssub.s32 @!p0 $0x0, s1;
	[sflag:s0] =	ssyncset.done @!p0 $0x0  }
0x9f: {  	[sflag:s0] =	ssyncadd.s32 @!p0 s1  }
0xa0: {  	[bflag:$0x3] =	sbarrier.arrive $0xFFFF  }
0xa1: {  	_ =	shalt  }

// kernel: kernel.9.cloned.1.call-start
scs
__scs_entry_jumppad:
0x0: {  	(pc) =	sbr.rel $0x88, $3  }
0x1: {  	(tag) =	ssettag $0x0;
	lr =	simm.s32 $0x1  }
0x2: {  	[smem:$0x3F8F] =	sst lr;
	_ =	strace $0xD0000000  }
0x3: {  	_ = 	snop  }
0x4: {  	_ = 	snop  }
0x5: {  	_ = 	snop  }
0x6: {  	_ = 	snop  }
0x7: {  	_ = 	snop  }
__scs_overlays_trampoline_lowered:
0x8: {  	[smem:$0x3F9E] =	sst s0  }
0x9: {  	[smem:$0x3F9F] =	sst s1  }
0xa: {  	[smem:$0x3FA0] =	sst s2  }
0xb: {  	[smem:$0x3FA1] =	sst s3  }
0xc: {  	[smem:$0x3FA2] =	sst s4  }
0xd: {  	[smem:$0x3FA3] =	sst s5  }
0xe: {  	[smem:$0x3FA4] =	sst s6  }
0xf: {  	[smem:$0x3FA5] =	sst s7  }
0x10: {  	[smem:$0x3FA6] =	sst s8  }
0x11: {  	[smem:$0x3FA7] =	sst s9;
	s0 =	simm.s32 @!p0 $0x0  }
0x12: {  	s1 =	sld [smem:$0x3F8D];
	s0 =	simm.s32 @p0 $0x1  }
0x13: {  	[smem:$0x3FA8] =	sst s0;
	s0 =	simm.s32 @!p1 $0x0  }
0x14: {  	s2 =	sld [smem:$0x3F8C];
	s0 =	simm.s32 @p1 $0x1  }
0x15: {  	[smem:$0x3FA9] =	sst s0;
	s0 =	simm.s32 @!p2 $0x0  }
0x16: {  	s3 =	sld [smem:$0x3FDB];
	s0 =	simm.s32 @p2 $0x1  }
0x17: {  	s4 =	simm.s32 $0x1BF5;
	[smem:$0x3FAB] =	sst s0  }
0x18: {  	s0 =	sld [smem:$0x3F8E];
	_ =	swait.ge [sflag:s4], $0x0  }
0x19: {  	s7 =	sld [smem:$0x3F8F]  }
0x1a: {  	s8 =	sadd.s32 $0xFFFFE003, lr  }
0x1b: {  	s9 =	sadd.s32 $0xFFFFFEF7, lr;
	s5 =	simm.s32 $0xFFFFFFFF;
	p2 =	slt.u32 s8, $0xFFFFF086  }
0x1c: {  	p1 =	slt.u32 s9, $0xF7A;
	s5 =	simm.s32 @!p2 $0x0  }
0x1d: {  	s5 =	simm.s32 @p1 $0x1;
	p0 =	seq.s32 s7, s2  }
0x1e: {  	s7 =	smul.u32 @!p0 $0xF7A, s2;
	p2 =	seq.s32 @!p0 s5, $0x0  }
0x1f: {  	s9 =	smul.u32 $0xF7A, s1;
	s8 =	simm.s32 @!p0 $0x1BF5;
	p2 =	por !p2, p0  }
0x20: {  	[sflag:s8] =	ssyncset.s32 @!p0 $0xFFFFF086;
	s6 =	sadd.s32 @!p0 s3, s7;
	s7 =	simm.s32 @!p0 $0x108  }
0x21: {  	s3 =	sadd.s32 s3, s9;
	s6 =	sadd.s32 @!p0 $0x88, s6;
	s7 =	simm.s32 @p2 $0x1082  }
0x22: {  	[simem:s7], [sflag:s8] =	dma.local @!p0 [hbm:s6], $0xF7A  }
0x23: {  	s9 =	sor.u32 $0xD0000000, s2;
	s6 =	simm.s32 $0x108;
	_ =	swait.ge @!p0 [sflag:s8], $0x0  }
0x24: {  	s3 =	sadd.s32 $0x88, s3;
	s6 =	simm.s32 @!p1 $0x1082;
	[sflag:s4] =	ssyncset.s32 $0xFFFFF086  }
0x25: {  	[simem:s6], [sflag:s4] =	dma.local [hbm:s3], $0xF7A  }
0x26: {  	[smem:$0x3F8F] =	sst s1;
	(tag) =	ssettag s2;
	_ =	strace s9  }
0x27: {  	s1 =	sld [smem:$0x3F9F]  }
0x28: {  	s2 =	sld [smem:$0x3FA0]  }
0x29: {  	s4 =	sld [smem:$0x3FA2]  }
0x2a: {  	p0 =	seq.s32 s5, $0x0;
	s5 =	sld [smem:$0x3FA3]  }
0x2b: {  	s6 =	sld [smem:$0x3FA4]  }
0x2c: {  	s7 =	sld [smem:$0x3FA5]  }
0x2d: {  	s3 =	simm.s32 $0x108;
	s8 =	sld [smem:$0x3FA6]  }
0x2e: {  	s3 =	simm.s32 @!p0 $0x1082;
	s9 =	sld [smem:$0x3FA7]  }
0x2f: {  	lr =	sadd.s32 s0, s3;
	s0 =	sld [smem:$0x3F9E]  }
0x30: {  	s3 =	sld [smem:$0x3FA1]  }
0x31: {  	[smem:$0x3FAA] =	sst s10  }
0x32: {  	s10 =	sld [smem:$0x3FA8];
	_ =	sdelay $0x3  }
0x33: {  	p0 =	seq.s32 s10, $0x1;
	s10 =	sld [smem:$0x3FAA];
	_ =	sdelay $0x3  }
0x34: {  	[smem:$0x3FAA] =	sst s10  }
0x35: {  	s10 =	sld [smem:$0x3FA9];
	_ =	sdelay $0x3  }
0x36: {  	p1 =	seq.s32 s10, $0x1;
	s10 =	sld [smem:$0x3FAA];
	_ =	sdelay $0x3  }
0x37: {  	[smem:$0x3FAA] =	sst s10  }
0x38: {  	s10 =	sld [smem:$0x3FAB]  }
0x39: {  	_ = 	snop;
	(pc) =	sbr.ind lr, $3  }
0x3a: {  	_ = 	snop  }
0x3b: {  	_ = 	snop  }
0x3c: {  	p2 =	seq.s32 s10, $0x1;
	s10 =	sld [smem:$0x3FAA]  }
0x3d: {  	_ =	shalt  }
0x3e: {  	_ =	shalt  }
0x3f: {  	_ =	shalt  }
0x40: {  	_ =	shalt  }
0x41: {  	_ =	shalt  }
0x42: {  	_ =	shalt  }
0x43: {  	_ =	shalt  }
0x44: {  	_ =	shalt  }
0x45: {  	_ =	shalt  }
0x46: {  	_ =	shalt  }
0x47: {  	_ =	shalt  }
0x48: {  	_ =	shalt  }
0x49: {  	_ =	shalt  }
0x4a: {  	_ =	shalt  }
0x4b: {  	_ =	shalt  }
0x4c: {  	_ =	shalt  }
0x4d: {  	_ =	shalt  }
0x4e: {  	_ =	shalt  }
0x4f: {  	_ =	shalt  }
0x50: {  	_ =	shalt  }
0x51: {  	_ =	shalt  }
0x52: {  	_ =	shalt  }
0x53: {  	_ =	shalt  }
0x54: {  	_ =	shalt  }
0x55: {  	_ =	shalt  }
0x56: {  	_ =	shalt  }
0x57: {  	_ =	shalt  }
0x58: {  	_ =	shalt  }
0x59: {  	_ =	shalt  }
0x5a: {  	_ =	shalt  }
0x5b: {  	_ =	shalt  }
0x5c: {  	_ =	shalt  }
0x5d: {  	_ =	shalt  }
0x5e: {  	_ =	shalt  }
0x5f: {  	_ =	shalt  }
0x60: {  	_ =	shalt  }
0x61: {  	_ =	shalt  }
0x62: {  	_ =	shalt  }
0x63: {  	_ =	shalt  }
0x64: {  	_ =	shalt  }
0x65: {  	_ =	shalt  }
0x66: {  	_ =	shalt  }
0x67: {  	_ =	shalt  }
0x68: {  	_ =	shalt  }
0x69: {  	_ =	shalt  }
0x6a: {  	_ =	shalt  }
0x6b: {  	_ =	shalt  }
0x6c: {  	_ =	shalt  }
0x6d: {  	_ =	shalt  }
0x6e: {  	_ =	shalt  }
0x6f: {  	_ =	shalt  }
0x70: {  	_ =	shalt  }
0x71: {  	_ =	shalt  }
0x72: {  	_ =	shalt  }
0x73: {  	_ =	shalt  }
0x74: {  	_ =	shalt  }
0x75: {  	_ =	shalt  }
0x76: {  	_ =	shalt  }
0x77: {  	_ =	shalt  }
0x78: {  	_ =	shalt  }
0x79: {  	_ =	shalt  }
0x7a: {  	_ =	shalt  }
0x7b: {  	_ =	shalt  }
0x7c: {  	_ =	shalt  }
0x7d: {  	_ =	shalt  }
0x7e: {  	_ =	shalt  }
0x7f: {  	_ =	shalt  }
0x80: {  	_ =	shalt  }
0x81: {  	_ =	shalt  }
0x82: {  	_ =	shalt  }
0x83: {  	_ =	shalt  }
0x84: {  	_ =	shalt  }
0x85: {  	_ =	shalt  }
0x86: {  	_ =	shalt  }
0x87: {  	_ =	shalt  }
.Lfunc_end0:
.L_simem_size_0:
called_computation.1_lowered:
.L_overlay_start_0:
0x88: {  	s2 =	sld [smem:$0x3FD9]  }
0x89: {  	s3 =	sld [smem:$0x3FFE];
	_ =	sdelay $0x1  }
0x8a: {  	s1 =	srdreg.scid  }
0x8b: {  	s0 =	sand.u32 $0x1, s1  }
0x8c: {  	s17 =	sshll.u32 s0, $0xA;
	s2 =	sadd.s32 s3, s2  }
0x8d: {  	s2 =	sadd.s32 s2, s17  }
0x8e: {  	[smem:$0x3FB6] =	sst s2  }
0x8f: {  	_ = 	snop  }
0x90: {  	s2 =	sld [smem:$0x3FD0];
	(tm) =	ssettm $0x1  }
0x91: {  	s18 =	sld [smem:$0x3FFB];
	_ =	sdelay $0x3  }
0x92: {  	_ =	strace s18  }
0x93: {  	s3 =	sld [smem:$0x3FFC];
	_ =	sdelay $0x3  }
0x94: {  	_ =	strace s3  }
0x95: {  	s3 =	sld [smem:$0x3FFD];
	_ =	sdelay $0x3  }
0x96: {  	_ =	strace s3  }
0x97: {  	_ =	strace $0x8FFFFFFF  }
0x98: {  	s19 =	sld [smem:$0x3FDB];
	_ =	sdelay $0x1  }
0x99: {  	s4 =	simm.s32 $_scs_section_size  }
0x9a: {  	s5 =	simm.s32 $_size__tile_overlayer_lowered;
	s6 =	simm.s32 $_tile_overlayer_lowered  }
0x9b: {  	s22 =	simm.s32 $0x1BFF;
	s21 =	sshll.u32 s6, $0x1;
	s3 =	sadd.s32 s4, s19  }
0x9c: {  	s7 =	simm.s32 $0x0;
	s20 =	sshll.u32 s5, $0x1;
	s5 =	sadd.s32 s21, s3  }
0x9d: {  	[timem:s7], [sflag:s22] =	dma.local [hbm:s5], s20  }
0x9e: {  	_ =	swait.ge [sflag:s22], s20  }
0x9f: {  	s4 =	ssub.s32 $0x0, s20;
	[sflag:s22] =	ssyncset.done $0x0  }
0xa0: {  	[sflag:s22] =	ssyncadd.s32 s4;
	_ =	sdelay $0x1  }
0xa1: {  	s23 =	simm.s32 $0x1B8B  }
0xa2: {  	_ =	swait.ge [sflag:s23], $0x1  }
0xa3: {  	[sflag:s23] =	ssyncset.done $0x0  }
0xa4: {  	s25 =	simm.s32 $0x1B8E;
	s24 =	sld [smem:$0x3FFE];
	[sflag:s23] =	ssyncadd.s32 $0xFFFFFFFF  }
0xa5: {  	s26 =	simm.s32 $execute0_lowered;
	[smem:$0x3FD2] =	sst s25  }
0xa6: {  	s5 =	sshll.u32 s26, $0x1;
	_ =	strace $0x80000049;
	[dreg:$0x1] =	wrdreg $0xFFFFFFFF  }
0xa7: {  	s28 =	simm.s32 $_size_execute0_lowered;
	s3 =	sadd.s32 s3, s5;
	[dreg:$0x0] =	wrdreg $0x0  }
0xa8: {  	s5 =	sshll.u32 s28, $0x1;
	[dreg:$0x2] =	wrdreg s3  }
0xa9: {  	[dreg:$0x3] =	wrdreg s5  }
0xaa: {  	[dreg:$0x4] =	wrdreg $0xC0  }
0xab: {  	_ =	task [dreg:s7], $0x5FFFF  }
0xac: {  	[dreg:$0x1] =	wrdreg $0xFFFFFFFF  }
0xad: {  	[dreg:$0x0] =	wrdreg $0x60  }
0xae: {  	[dreg:$0x2] =	wrdreg s24  }
0xaf: {  	[dreg:$0x3] =	wrdreg s2  }
0xb0: {  	[dreg:$0x4] =	wrdreg $0xA1000  }
0xb1: {  	[dreg:$0x5] =	wrdreg $0x9  }
0xb2: {  	_ =	task.clear_ibuf [dreg:s7], $0x6FFFF;
	_ =	strace $0x90000049  }
0xb3: {  	s29 =	simm.s32 $0x9;
	_ =	strace $0x8000004B  }
0xb4: {  	_ =	swait.ge [sflag:s29], $0x1  }
0xb5: {  	[sflag:s29] =	ssyncadd.s32 $0xFFFFFFFF  }
0xb6: {  	_ =	strace $0x9000004B  }
0xb7: {  	_ =	sfence  }
0xb8: {  	s30 =	sld [smem:$0x0];
	_ =	sdelay $0x2  }
0xb9: {  	s31 =	sshll.u32 s1, $0xD;
	s1 =	sshrl.u32 s1, $0x2  }
0xba: {  	s3 =	sand.u32 $0x4000, s31;
	s1 =	sadd.s32 s1, s30  }
0xbb: {  	s0 =	sor.u32 s3, s0;
	s1 =	sshll.u32 s1, $0x11  }
0xbc: {  	s0 =	sor.u32 s1, s0  }
0xbd: {  	s0 =	sadd.s32 $0x8F2B, s0  }
0xbe: {  	[sflag:s0] =	ssyncadd.remote.s32 $0x1  }
0xbf: {  	_ =	sfence.sel $0xFFFF  }
0xc0: {  	[dreg:$0x0] =	wrdreg $0xFFFFFFFF;
	(pc) =	sbr.abs _section_cstart, $3  }
0xc1: {  	[dreg:$0x1] =	wrdreg $0xFFFFFFFF  }
0xc2: {  	_ =	task.clear_ibuf [dreg:s7], $0x2FFFF;
	_ =	strace $0x9FFFFFFF  }
0xc3: {  	(tm) =	ssettm $0x7FFFFFFF  }
tec
execute0_lowered:
.L_overlay_start_1:
0x0: {  	(tag) =	ssettag $0x1  }
0x1: {  	s0 =	rddreg [dreg:$0x0]  }
0x2: {  	s1 =	rddreg [dreg:$0x1];
	s3 =	srdreg.scid  }
0x3: {  	s2 =	rddreg [dreg:$0x2];
	s10 =	stileid.u32;
	s16 =	simm.s32 $0x2900  }
0x4: {  	s17 =	simm.s32 $0x8;
	s18 =	simm.s32 $0x1;
	s28 =	simm.s32 $0x3  }
0x5: {  	s29 =	simm.s32 $0x5;
	s30 =	simm.s32 $0x6;
	s5 =	smul.u32 $0x2800, s10  }
0x6: {  	s31 =	simm.s32 $0x7;
	s7 =	sand.u32 $0x1, s3;
	s9 =	smul.u32 $0xA000, s10  }
0x7: {  	s3 =	simm.s32 $0x0;
	s6 =	sshll.u32 s10, $0x1;
	s11 =	smul.u32 $0x4E20, s10  }
0x8: {  	s22 =	ssub.s32 $0x8C, s10;
	s4 =	smul.u32 $0x138800, s7;
	[smem:$0x7FF] =	sst s3  }
0x9: {  	s19 =	sor.u32 s7, s6;
	s8 =	ssub.s32 $0x2, s7;
	s6 =	sshrl.u32 s22, $0x4  }
0xa: {  	s7 =	smul.u32 $0x2710, s7;
	s22 =	simm.s32 $0x2800;
	_ =	strace $0x8000004A  }
0xb: {  	s21 =	sshrl.u32 s8, $0x1;
	s9 =	sshrl.u32 s9, $0x2;
	s4 =	sadd.s32 s5, s4  }
0xc: {  	s5 =	smul.u32 $0x2710, s19;
	s8 =	ssub.s32 s8, s21;
	s9 =	sadd.s32 s9, s2  }
0xd: {  	s7 =	sadd.s32 s7, s11;
	s19 =	simm.s32 $0x50;
	s21 =	simm.s32 $0x5100  }
0xe: {  	s20 =	sshrl.u32 s4, $0x3;
	s4 =	sadd.s32 $0x3800, s0;
	s25 =	smax.u32 s8, $0x1  }
0xf: {  	s26 =	sadd.s32 $0x4E390, s7;
	s11 =	sadd.s32 $0x4E340, s7;
	s7 =	sadd.s32 $0x4E2F0, s7  }
0x10: {  	s0 =	sadd.s32 s20, s0;
	s5 =	sshrl.u32 s5, $0x3;
	[dreg:$0x8] =	wrdreg s25  }
0x11: {  	s8 =	sshrl.u32 s26, $0x3;
	s11 =	sshrl.u32 s11, $0x3;
	s7 =	sshrl.u32 s7, $0x3  }
0x12: {  	s20 =	simm.s32 $0x2780;
	s25 =	simm.s32 $0x2880;
	s26 =	simm.s32 $0x2  }
0x13: {  	s5 =	sadd.s32 s1, s5;
	s12 =	sadd.s32 s8, s1;
	s13 =	sadd.s32 s11, s1  }
0x14: {  	s14 =	sadd.s32 s7, s1;
	s23 =	sadd.s32 $0x9C40, s5;
	[dreg:$0x4] =	wrdreg s5  }
0x15: {  	s15 =	sadd.s32 $0x2AA00, s0;
	s24 =	sadd.s32 $0x9C4A, s5;
	[dreg:$0x5] =	wrdreg s23  }
0x16: {  	s0 =	simm.s32 $0x4;
	s5 =	sadd.s32 $0x9C54, s5;
	[dreg:$0x6] =	wrdreg s24  }
0x17: {  	v0 =	vimm.f32 $0.0e+00;
	s1 =	simm.s32 $0x0;
	[dreg:$0x7] =	wrdreg s5;
	s24 =	simm.s32 $0x7900  }
.LBB2_1:
0x18: {  	s5 =	rddreg [dreg:$0x4];
	s7 =	simm.s32 $0x0;
	s8 =	simm.s32 $0x200  }
0x19: {  	[tilespmem:s3], [sflag:$0x1] =	stream.linear.gather [hbm4b:s5+s3], $0x2710, $0x38;
	[tilespmem:$0x1D980] =	vst v63  }
.LBB2_2:
0x1a: {  	p0 =	sne.s32 s8, $0x9E00;
	[tilespmem:s7+$0x2970] =	vst v0  }
0x1b: {  	[tilespmem:s7+$0x2900] =	vst v0  }
0x1c: {  	[tilespmem:s7+$0x2910] =	vst v0  }
.Ltmp0:
0x1d: {  	[tilespmem:s7+$0x2920] =	vst v0;
	(pc) =	sbr.rel @p0 .LBB2_2-.Ltmp0, $4  }
0x1e: {  	[tilespmem:s7+$0x2930] =	vst v0  }
0x1f: {  	[tilespmem:s7+$0x2940] =	vst v0  }
0x20: {  	[tilespmem:s7+$0x2950] =	vst v0  }
0x21: {  	[tilespmem:s7+$0x2960] =	vst v0;
	s7 =	sshra.s32 s8, $0x2;
	s8 =	sadd.s32 $0x200, s8  }
0x22: {  	[tilespmem:s7+$0x2970] =	vst v0  }
0x23: {  	[tilespmem:s7+$0x2900] =	vst v0  }
0x24: {  	[tilespmem:s7+$0x2910] =	vst v0  }
0x25: {  	[tilespmem:s7+$0x2920] =	vst v0  }
0x26: {  	[tilespmem:s7+$0x2930] =	vst v0  }
0x27: {  	[tilespmem:s7+$0x2940] =	vst v0;
	p0 =	sne.s32 s6, $0x1  }
.Ltmp1:
0x28: {  	[tilespmem:s7+$0x2950] =	vst v0;
	(pc) =	sbr.rel @!p0 .LBB2_5-.Ltmp1, $4  }
0x29: {  	[tilespmem:s7+$0x2960] =	vst v0  }
0x2a: {  	[spmem:s9] =	stream.linear.scatter [tilespmem:s16], [sflag:$0x8], $0x2800, $0x38;
	[tilespmem:$0x1D980] =	vst v63  }
0x2b: {  	_ =	swait.ge [sflag:s17], $0x2800  }
0x2c: {  	s7 =	sadd.s32 $0xFFFFFFFF, s6;
	s8 =	smov.u32 s9;
	[sflag:s17] =	ssyncset.done $0x0  }
.LBB2_4:
0x2d: {  	p1 =	sne.s32 s7, $0x1;
	[sflag:s17] =	ssyncadd.s32 $0xFFFFD800;
	s8 =	sadd.s32 $0x28000, s8  }
.Ltmp2:
0x2e: {  	s7 =	sadd.s32 $0xFFFFFFFF, s7;
	(pc) =	sbr.rel @p1 .LBB2_4-.Ltmp2, $4  }
0x2f: {  	_ = 	snop  }
0x30: {  	[spmem:s8] =	stream.linear.scatter [tilespmem:s16], [sflag:$0x8], $0x2800, $0x38;
	[tilespmem:$0x1D980] =	vst v63  }
0x31: {  	_ =	swait.ge [sflag:s17], $0x2800  }
0x32: {  	[sflag:s17] =	ssyncset.done $0x0  }
.LBB2_5:
0x33: {  	[sflag:s17] =	ssyncadd.s32 $0xFFFFD800  }
0x34: {  	_ =	swait.ge [sflag:s18], $0x2710  }
0x35: {  	[sflag:s18] =	ssyncset.done $0x0  }
0x36: {  	s23 =	simm.s32 $0x0;
	[sflag:s18] =	ssyncadd.s32 $0xFFFFD8F0  }
0x37: {  	[tilespmem:s16], [sflag:$0x2] =	stream.indirect.gather [hbm4b:s4+s19], $0x80, s23, s19, $0xb8;
	[tilespmem:$0x1D980] =	vst v63  }
0x38: {  	s5 =	rddreg [dreg:$0x5]  }
0x39: {  	[tilespmem:s20], [sflag:$0x2] =	stream.linear.gather [hbm4b:s5+s23], $0x50, $0x38;
	[tilespmem:$0x1D980] =	vst v63  }
0x3a: {  	_ = 	snop  }
0x3b: {  	[tilespmem:s21], [sflag:$0x3] =	stream.indirect.gather [hbm4b:s4+s19], $0x80, s19, s19, $0xb8;
	[tilespmem:$0x1D980] =	vst v63  }
0x3c: {  	s8 =	rddreg [dreg:$0x6]  }
0x3d: {  	[tilespmem:s22], [sflag:$0x3] =	stream.linear.gather [hbm4b:s8+s23], $0x50, $0x38;
	[tilespmem:$0x1D980] =	vst v63  }
0x3e: {  	s10 =	simm.s32 $0xA0  }
0x3f: {  	[tilespmem:s24], [sflag:$0x4] =	stream.indirect.gather [hbm4b:s4+s19], $0x80, s10, s19, $0xb8;
	[tilespmem:$0x1D980] =	vst v63  }
0x40: {  	s11 =	rddreg [dreg:$0x7]  }
0x41: {  	[tilespmem:s25], [sflag:$0x4] =	stream.linear.gather [hbm4b:s11+s23], $0x50, $0x38;
	[tilespmem:$0x1D980] =	vst v63  }
0x42: {  	s7 =	simm.s32 $0x190;
	s8 =	simm.s32 $0x0;
	[bflag:$0x0] =	sbarrier.arrive $0xFFFF  }
.LBB2_6:
0x43: {  	_ =	swait.ge [sflag:s26], $0x2800  }
0x44: {  	p1 =	seq.s32 s23, $0x4CE;
	[sflag:s26] =	ssyncset.done $0x0  }
.Ltmp3:
0x45: {  	[sflag:s26] =	ssyncadd.s32 $0xFFFFD800;
	(pc) =	sbr.rel @p1 .LBB2_12-.Ltmp3, $4  }
0x46: {  	_ =	swait.ge [sflag:s26], $0x50  }
0x47: {  	[sflag:s26] =	ssyncset.done $0x0  }
0x48: {  	[sflag:s26] =	ssyncadd.s32 $0xFFFFFFB0  }
0x49: {  	[spmem:s2] =	stream.indirect.scatter.add.f32 [tilespmem:s16], [sflag:$0x5], $0x80, s20, s19, $0xb8;
	[tilespmem:$0x1D980] =	vst v63  }
0x4a: {  	_ =	swait.ge [sflag:s29], $0x2800  }
0x4b: {  	[sflag:s29] =	ssyncset.done $0x0  }
0x4c: {  	s11 =	sadd.s32 $0xFFFFFF60, s7;
	[sflag:s29] =	ssyncadd.s32 $0xFFFFD800  }
0x4d: {  	[tilespmem:s16], [sflag:$0x2] =	stream.indirect.gather [hbm4b:s4+s19], $0x80, s11, s19, $0xb8;
	[tilespmem:$0x1D980] =	vst v63  }
0x4e: {  	s10 =	sadd.s32 s23, s14  }
0x4f: {  	[tilespmem:s20], [sflag:$0x2] =	stream.linear.gather [hbm4b:s10+s3], $0x50, $0x38;
	[tilespmem:$0x1D980] =	vst v63  }
0x50: {  	_ =	swait.ge [sflag:s28], $0x2800  }
0x51: {  	[sflag:s28] =	ssyncset.done $0x0  }
0x52: {  	[sflag:s28] =	ssyncadd.s32 $0xFFFFD800  }
0x53: {  	_ =	swait.ge [sflag:s28], $0x50  }
0x54: {  	[sflag:s28] =	ssyncset.done $0x0  }
0x55: {  	[sflag:s28] =	ssyncadd.s32 $0xFFFFFFB0  }
0x56: {  	[spmem:s2] =	stream.indirect.scatter.add.f32 [tilespmem:s21], [sflag:$0x6], $0x80, s22, s19, $0xb8;
	[tilespmem:$0x1D980] =	vst v63  }
0x57: {  	_ =	swait.ge [sflag:s30], $0x2800  }
0x58: {  	[sflag:s30] =	ssyncset.done $0x0  }
0x59: {  	s5 =	sadd.s32 $0xFFFFFFB0, s7;
	[sflag:s30] =	ssyncadd.s32 $0xFFFFD800  }
0x5a: {  	[tilespmem:s21], [sflag:$0x3] =	stream.indirect.gather [hbm4b:s4+s19], $0x80, s5, s19, $0xb8;
	[tilespmem:$0x1D980] =	vst v63  }
0x5b: {  	s10 =	sadd.s32 s23, s13  }
0x5c: {  	[tilespmem:s22], [sflag:$0x3] =	stream.linear.gather [hbm4b:s10+s3], $0x50, $0x38;
	[tilespmem:$0x1D980] =	vst v63  }
0x5d: {  	_ =	swait.ge [sflag:s0], $0x2800  }
0x5e: {  	[sflag:s0] =	ssyncset.done $0x0  }
0x5f: {  	[sflag:s0] =	ssyncadd.s32 $0xFFFFD800  }
0x60: {  	_ =	swait.ge [sflag:s0], $0x50  }
0x61: {  	p1 =	sgt.u32 s8, $0x27;
	[sflag:s0] =	ssyncset.done $0x0  }
0x62: {  	s11 =	simm.s32 @!p1 $0x7;
	[sflag:s0] =	ssyncadd.s32 $0xFFFFFFB0  }
0x63: {  	[spmem:s2] =	stream.indirect.scatter.add.f32 [tilespmem:s24], [sflag:$0x7], $0x80, s25, s19, $0xb8;
	[tilespmem:$0x1D980] =	vst v63  }
0x64: {  	_ =	swait.ge @!p1 [sflag:s11], $0x2800  }
0x65: {  	s5 =	simm.s32 @!p1 $0x2880;
	[sflag:s11] =	ssyncset.done @!p1 $0x0  }
0x66: {  	s10 =	simm.s32 @!p1 $0x7900;
	[sflag:s11] =	ssyncadd.s32 @!p1 $0xFFFFD800;
	s11 =	simm.s32 @!p1 $0x50  }
0x67: {  	[tilespmem:s10], [sflag:$0x4] =	stream.indirect.gather @!p1 [hbm4b:s4+s11], $0x80, s7, s11, $0xb8;
	[tilespmem:$0x1D980] =	vst v63  }
0x68: {  	s10 =	sadd.s32 @!p1 s23, s12;
	s11 =	simm.s32 @!p1 $0x0;
	s23 =	sadd.s32 $0x1E, s23  }
0x69: {  	[tilespmem:s5], [sflag:$0x4] =	stream.linear.gather @!p1 [hbm4b:s10+s11], $0x50, $0x38;
	[tilespmem:$0x1D980] =	vst v63  }
0x6a: {  	p1 =	sne.s32 s23, $0x4EC  }
.Ltmp4:
0x6b: {  	_ = 	snop;
	(pc) =	sbr.rel @p1 .LBB2_6-.Ltmp4, $4  }
.Ltmp5:
0x6c: {  	_ = 	snop;
	(pc) =	sbr.rel @!p1 .LBB2_8-.Ltmp5, $4  }
0x6d: {  	_ = 	snop  }
0x6e: {  	_ = 	snop  }
0x6f: {  	s8 =	sadd.s32 $0x1, s8;
	s7 =	sadd.s32 $0xF0, s7  }
0x70: {  	_ = 	snop  }
.LBB2_12:
0x71: {  	_ =	swait.ge [sflag:s28], $0x2800  }
0x72: {  	[sflag:s28] =	ssyncset.done $0x0  }
0x73: {  	[sflag:s28] =	ssyncadd.s32 $0xFFFFD800  }
0x74: {  	_ =	swait.ge [sflag:s28], $0x50  }
0x75: {  	[sflag:s28] =	ssyncset.done $0x0  }
0x76: {  	[sflag:s28] =	ssyncadd.s32 $0xFFFFFFB0  }
0x77: {  	[spmem:s2] =	stream.indirect.scatter.add.f32 [tilespmem:s21], [sflag:$0x6], $0x80, s22, s19, $0xb8;
	[tilespmem:$0x1D980] =	vst v63  }
.LBB2_8:
0x78: {  	_ =	swait.ge [sflag:s29], $0x2800  }
0x79: {  	[sflag:s29] =	ssyncset.done $0x0  }
0x7a: {  	[sflag:s29] =	ssyncadd.s32 $0xFFFFD800  }
0x7b: {  	_ =	swait.ge [sflag:s30], $0x2800  }
0x7c: {  	[sflag:s30] =	ssyncset.done $0x0  }
0x7d: {  	[sflag:s30] =	ssyncadd.s32 $0xFFFFD800  }
0x7e: {  	_ =	swait.ge [sflag:s31], $0x2800  }
.Ltmp6:
0x7f: {  	s5 =	stileid.u32;
	[sflag:s31] =	ssyncset.done $0x0;
	(pc) =	sbr.rel @!p0 .LBB2_10-.Ltmp6, $4  }
0x80: {  	s23 =	sshrl.u32 s9, $0x3;
	s5 =	sshll.u32 s5, $0x6;
	[sflag:s31] =	ssyncadd.s32 $0xFFFFD800  }
0x81: {  	s8 =	sadd.s32 $0xFFFFFFFF, s6;
	s7 =	sor.u32 $0x1C08, s5;
	[bflag:$0x0] =	sbarrier.arrive $0xFFFF  }
0x82: {  	[hbm:s15], [sflag:s7] =	dma.local [spmem:s23], $0x500  }
0x83: {  	s11 =	smov.u32 s9;
	s23 =	sadd.s32 $0x5000, s15;
	_ =	swait.ge [sflag:s17], $0x500  }
.LBB2_9:
0x84: {  	[sflag:s17] =	ssyncset.done $0x0;
	s11 =	sadd.s32 $0x28000, s11;
	p0 =	sne.s32 s8, $0x1  }
.Ltmp7:
0x85: {  	s5 =	sshrl.u32 s11, $0x3;
	[sflag:s17] =	ssyncadd.s32 $0xFFFFFB00;
	(pc) =	sbr.rel @p0 .LBB2_9-.Ltmp7, $3  }
0x86: {  	[hbm:s23], [sflag:s7] =	dma.local [spmem:s5], $0x500  }
0x87: {  	s8 =	sadd.s32 $0xFFFFFFFF, s8;
	_ =	sdelay $0x1  }
0x88: {  	s23 =	sadd.s32 $0x5000, s23;
	_ =	swait.ge [sflag:s17], $0x500  }
.LBB2_10:
0x89: {  	s1 =	sadd.s32 $0x1, s1;
	s5 =	rddreg [dreg:$0x8]  }
0x8a: {  	p0 =	sne.s32 s1, s5  }
.Ltmp8:
0x8b: {  	_ = 	snop;
	(pc) =	sbr.rel @p0 .LBB2_1-.Ltmp8, $3  }
0x8c: {  	_ =	sdelay $0x1  }
0x8d: {  	[sflag:s17] =	ssyncset.done $0x0  }
0x8e: {  	[sflag:s17] =	ssyncadd.s32 $0xFFFFFB00  }
0x8f: {  	_ =	sfence.sel $0x180000  }
0x90: {  	[bflag:$0x0] =	sbarrier.arrive $0xFFFF  }
0x91: {  	_ =	strace $0x9000004A  }
0x92: {  	s0 =	stileid.u32;
	[bflag:$0x2] =	sbarrier.arrive $0xFFFF  }
0x93: {  	p0 =	sne.s32 s0, $0x0;
	s0 =	rddreg [dreg:$0x3]  }
0x94: {  	s0 =	sadd.s32 @!p0 $0x100000, s0  }
0x95: {  	[sflag:s0] =	ssyncadd.tile.s32 @!p0 $0x1;
	_ =	shalt  }
.Lfunc_end2:
_tile_overlayer_lowered:
.L_overlay_start_2:
0x96: {  	(tag) =	ssettag $0x2  }
0x97: {  	s0 =	rddreg [dreg:$0x0];
	s2 =	stileid.u32  }
0x98: {  	s1 =	rddreg [dreg:$0x1];
	p0 =	sne.s32 s2, $0x0  }
0x99: {  	s3 =	rddreg [dreg:$0x2];
	[bflag:$0x3] =	sbarrier.arrive $0xFFFF;
	s2 =	simm.s32 @!p0 $0x1C08  }
0x9a: {  	[timem:s3], [sflag:s2] =	dma.local @!p0 [hbm:s0], s1  }
0x9b: {  	s0 =	simm.s32 @!p0 $0x8  }
0x9c: {  	_ =	swait.ge @!p0 [sflag:s0], s1  }
0x9d: {  	s1 =	ssub.s32 @!p0 $0x0, s1;
	[sflag:s0] =	ssyncset.done @!p0 $0x0  }
0x9e: {  	[sflag:s0] =	ssyncadd.s32 @!p0 s1  }
0x9f: {  	[bflag:$0x3] =	sbarrier.arrive $0xFFFF  }
0xa0: {  	_ =	shalt  }

</sc_bundles>
